<compile_context>
chip_gen: v7x
topology: tpu7x:2x2x1
jax: 0.10.2.dev20260603
libtpu: 0.0.44.dev20260713+nightly
codegen_flags: <defaults>
</compile_context>

<pallas_src>
import jax
import jax.numpy as jnp
from jax import lax
from jax.experimental import pallas as pl
from jax.experimental.pallas import tpu as pltpu
from jax.experimental.pallas import tpu_sc as plsc

BATCH = 16384
EMBED_DIM = 128
CHUNK = 128
NCHUNK = 2
MLP_BLK = 2048

_NC, _NS = 2, 16
_NW = _NC * _NS
_NSLOT = 4


def _sc_gather_body(n_rows, base_ir, users_hbm, items_hbm, ut_hbm, it_hbm,
                    x_hbm, idx_v, rows_v, gsem, ssem):
    ch_per_w = n_rows // (_NW * CHUNK)
    ntask = 2 * ch_per_w
    wid = lax.axis_index("s") * _NC + lax.axis_index("c")
    r0 = wid * ch_per_w
    pltpu.sync_copy(users_hbm.at[pl.ds(base_ir + r0, ch_per_w)],
                    idx_v.at[pl.ds(0, ch_per_w)])
    pltpu.sync_copy(items_hbm.at[pl.ds(base_ir + r0, ch_per_w)],
                    idx_v.at[pl.ds(ch_per_w, ch_per_w)])

    def dst(k):
        col = k // ch_per_w
        j = k % ch_per_w
        return x_hbm.at[pl.ds((r0 + j) * CHUNK, CHUNK),
                        pl.ds(col * EMBED_DIM, EMBED_DIM)]

    gd, sd = {}, {}
    for k in range(ntask):
        s = k % _NSLOT
        tbl = ut_hbm if k < ch_per_w else it_hbm
        if k >= _NSLOT:
            sd[k - _NSLOT].wait()
        gd[k] = pltpu.async_copy(tbl.at[idx_v.at[k]], rows_v.at[s], gsem.at[s])
        if k >= 1:
            gd[k - 1].wait()
            sd[k - 1] = pltpu.async_copy(rows_v.at[(k - 1) % _NSLOT],
                                         dst(k - 1), ssem.at[(k - 1) % _NSLOT])
    gd[ntask - 1].wait()
    sd[ntask - 1] = pltpu.async_copy(rows_v.at[(ntask - 1) % _NSLOT],
                                     dst(ntask - 1),
                                     ssem.at[(ntask - 1) % _NSLOT])
    for k in range(max(0, ntask - _NSLOT), ntask):
        sd[k].wait()


def _sc_gather(users_r, items_r, user_table, item_table, n_rows, base_ir):
    ntask = 2 * (n_rows // (_NW * CHUNK))
    mesh = plsc.VectorSubcoreMesh(core_axis_name="c", subcore_axis_name="s")
    f = pl.kernel(
        lambda *a: _sc_gather_body(n_rows, base_ir, *a),
        mesh=mesh,
        out_type=jax.ShapeDtypeStruct((n_rows, 2 * EMBED_DIM), jnp.float32),
        scratch_types=[
            pltpu.VMEM((ntask, CHUNK), jnp.int32),
            pltpu.VMEM((_NSLOT, CHUNK, EMBED_DIM), jnp.float32),
            pltpu.SemaphoreType.DMA((_NSLOT,)),
            pltpu.SemaphoreType.DMA((_NSLOT,)),
        ],
    )
    return f(users_r, items_r, user_table, item_table)


def _mlp_body(x_ref, w0_ref, b0_ref, w1_ref, b1_ref, w2_ref, b2_ref, out_ref):
    bf = jnp.bfloat16
    h = jnp.dot(x_ref[...].astype(bf), w0_ref[...],
                preferred_element_type=jnp.float32)
    h = jnp.maximum(h + b0_ref[...], 0.0)
    h = jnp.dot(h.astype(bf), w1_ref[...], preferred_element_type=jnp.float32)
    h = jnp.maximum(h + b1_ref[...], 0.0)
    h = jnp.dot(h.astype(bf), w2_ref[...], preferred_element_type=jnp.float32)
    out_ref[...] = jnp.maximum(h + b2_ref[...], 0.0)


def _mlp_chunk(x_c, weights, prev, c):
    W0, b0, W1, b1, W2, b2 = weights
    rows = x_c.shape[0]
    n_blk = rows // MLP_BLK
    h0, h1, h2 = W0.shape[1], W1.shape[1], W2.shape[1]
    data_specs = [
        pl.BlockSpec((MLP_BLK, 2 * EMBED_DIM), lambda i: (i, 0)),
        pl.BlockSpec((2 * EMBED_DIM, h0), lambda i: (0, 0)),
        pl.BlockSpec((1, h0), lambda i: (0, 0)),
        pl.BlockSpec((h0, h1), lambda i: (0, 0)),
        pl.BlockSpec((1, h1), lambda i: (0, 0)),
        pl.BlockSpec((h1, h2), lambda i: (0, 0)),
        pl.BlockSpec((1, h2), lambda i: (0, 0)),
    ]
    args = (x_c, W0, b0, W1, b1, W2, b2)
    if prev is None:
        body = _mlp_body
        in_specs = data_specs
        aliases = {}
    else:
        def body(prev_ref, *refs):
            _mlp_body(*refs)
        in_specs = [pl.BlockSpec(memory_space=pltpu.MemorySpace.HBM)] + data_specs
        args = (prev,) + args
        aliases = {0: 0}
    return pl.pallas_call(
        body,
        grid=(n_blk,),
        in_specs=in_specs,
        out_specs=pl.BlockSpec((MLP_BLK, h2), lambda i, c=c: (i + c * n_blk, 0)),
        out_shape=jax.ShapeDtypeStruct((BATCH, h2), jnp.float32),
        input_output_aliases=aliases,
        compiler_params=pltpu.CompilerParams(
            dimension_semantics=("arbitrary",),
        ),
    )(*args)


def kernel(users, items, user_table, item_table, W0, b0, W1, b1, W2, b2):
    h0, h1, h2 = W0.shape[1], W1.shape[1], W2.shape[1]
    weights = (W0.astype(jnp.bfloat16), b0.reshape(1, h0),
               W1.astype(jnp.bfloat16), b1.reshape(1, h1),
               W2.astype(jnp.bfloat16), b2.reshape(1, h2))
    users_r = users.astype(jnp.int32).reshape(BATCH // CHUNK, CHUNK)
    items_r = items.astype(jnp.int32).reshape(BATCH // CHUNK, CHUNK)
    rows_per_chunk = BATCH // NCHUNK
    ir_per_chunk = rows_per_chunk // CHUNK
    xs = []
    for c in range(NCHUNK):
        xs.append(_sc_gather(users_r, items_r, user_table, item_table,
                             rows_per_chunk, c * ir_per_chunk))
    out = None
    for c in range(NCHUNK):
        out = _mlp_chunk(xs[c], weights, out, c)
    return out

# --- scband reference (transcript-rebuilt; emitter-appended) ---
"""Pipeline reference for scband-mlp-25795573580325 (READ-ONLY COPY).

The authoritative reference and input builder live on the scoring server;
editing this copy changes nothing except your own understanding.
"""

import jax, jax.numpy as jnp
import numpy as np

NUM_USERS = 100000
NUM_ITEMS = 100000
EMBED_DIM = 128
BATCH = 16384
HIDDEN = [1024, 512, 256]


def setup_inputs(seed: int = 0) -> dict:
    key = jax.random.key(seed)
    ks = jax.random.split(key, 12)
    users = jax.random.randint(ks[0], (BATCH,), 0, NUM_USERS, dtype=jnp.int64 if jax.config.jax_enable_x64 else jnp.int32)
    items = jax.random.randint(ks[1], (BATCH,), 0, NUM_ITEMS, dtype=jnp.int64 if jax.config.jax_enable_x64 else jnp.int32)
    user_table = jax.random.normal(ks[2], (NUM_USERS, EMBED_DIM), dtype=jnp.float32) * 0.02
    item_table = jax.random.normal(ks[3], (NUM_ITEMS, EMBED_DIM), dtype=jnp.float32) * 0.02
    in_dim = EMBED_DIM * 2
    W0 = jax.random.normal(ks[4], (in_dim, HIDDEN[0]), dtype=jnp.float32) * (1.0 / np.sqrt(in_dim))
    b0 = jnp.zeros((HIDDEN[0],), dtype=jnp.float32)
    W1 = jax.random.normal(ks[5], (HIDDEN[0], HIDDEN[1]), dtype=jnp.float32) * (1.0 / np.sqrt(HIDDEN[0]))
    b1 = jnp.zeros((HIDDEN[1],), dtype=jnp.float32)
    W2 = jax.random.normal(ks[6], (HIDDEN[1], HIDDEN[2]), dtype=jnp.float32) * (1.0 / np.sqrt(HIDDEN[1]))
    b2 = jnp.zeros((HIDDEN[2],), dtype=jnp.float32)
    return {"users": users, "items": items, "user_table": user_table, "item_table": item_table,
            "W0": W0, "b0": b0, "W1": W1, "b1": b1, "W2": W2, "b2": b2}


def reference(users, items, user_table, item_table, W0, b0, W1, b1, W2, b2):
    # Embedding lookups (SparseCore gather)
    user_embeds = jnp.take(user_table, users, axis=0)
    item_embeds = jnp.take(item_table, items, axis=0)
    # dropout is identity in eval mode
    x = jnp.concatenate([user_embeds, item_embeds], axis=1)
    # MLP tower (fc_layers with ReLU nonlinearity between layers)
    x = jax.nn.relu(x @ W0 + b0)
    x = jax.nn.relu(x @ W1 + b1)
    x = jax.nn.relu(x @ W2 + b2)
    return x

if __name__ == "__main__":
    import jax
    _d = setup_inputs()
    print(jax.jit(kernel)(*tuple(_d.values())))

</pallas_src>

<mosaic_0001>
#map = affine_map<(d0, d1) -> (0, 0)>
module attributes {stable_mosaic.version = 14 : i64} {
  func.func @_lambda_(%arg0: i32, %arg1: i32, %arg2: memref<128x128xi32, #tpu.memory_space<hbm>>, %arg3: memref<128x128xi32, #tpu.memory_space<hbm>>, %arg4: memref<100000x128xf32, #tpu.memory_space<hbm>>, %arg5: memref<100000x128xf32, #tpu.memory_space<hbm>>, %arg6: memref<8192x256xf32, #tpu.memory_space<hbm>>, %arg7: memref<4x128xi32, #tpu.memory_space<vmem>>, %arg8: memref<4x128x128xf32, #tpu.memory_space<vmem>>, %arg9: memref<4x!tpu.dma_semaphore, #tpu.memory_space<semaphore_mem>>, %arg10: memref<4x!tpu.dma_semaphore, #tpu.memory_space<semaphore_mem>>) attributes {dimension_semantics = [#tpu.dimension_semantics<core_parallel>, #tpu.dimension_semantics<subcore_parallel>], iteration_bounds = array<i64: 2, 16>, scalar_prefetch = 0 : i64, scratch_operands = 4 : i64, tpu.core_type = #tpu.core_type<sc_vector_subcore>, window_params = [{transform_indices = #map}, {transform_indices = #map}, {transform_indices = #map}, {transform_indices = #map}, {transform_indices = #map}]} {
    %mul3A = arith.constant 2 : i32
    %mul3A_0 = arith.muli %arg1, %mul3A : i32
    %add3A = arith.addi %mul3A_0, %arg0 : i32
    %mul3A_1 = arith.constant 2 : i32
    %mul3A_2 = arith.muli %add3A, %mul3A_1 : i32
    %add3A_3 = arith.constant 64 : i32
    %add3A_4 = arith.addi %add3A_3, %mul3A_2 : i32
    "tpu.region"() ({
      %run_scoped3A = tpu.sem_alloc : memref<!tpu.dma_semaphore, #tpu.memory_space<semaphore_mem>>
      %dma_start3A_269 = arith.constant 0 : i32
      %dma_start3A_270 = arith.constant 0 : i32
      %dma_start3A_271 = tpu.memref_slice %arg7[%dma_start3A_269, %dma_start3A_270] : memref<4x128xi32, #tpu.memory_space<vmem>> -> memref<2x128xi32, #tpu.memory_space<vmem>>
      %dma_start3A_272 = arith.constant 0 : i32
      %dma_start3A_273 = tpu.memref_slice %arg2[%add3A_4, %dma_start3A_272] : memref<128x128xi32, #tpu.memory_space<hbm>> -> memref<2x128xi32, #tpu.memory_space<hbm>>
      %dma_start3A_274 = arith.constant 0 : i32
      %dma_start3A_275 = arith.constant 0 : i32
      %dma_start3A_276 = tpu.memref_slice %arg7[%dma_start3A_274, %dma_start3A_275] : memref<4x128xi32, #tpu.memory_space<vmem>> -> memref<2x128xi32, #tpu.memory_space<vmem>>
      %dma_start3A_277 = arith.constant 0 : i32
      %dma_start3A_278 = tpu.memref_slice %arg2[%add3A_4, %dma_start3A_277] : memref<128x128xi32, #tpu.memory_space<hbm>> -> memref<2x128xi32, #tpu.memory_space<hbm>>
      tpu.enqueue_dma source(%dma_start3A_278 : memref<2x128xi32, #tpu.memory_space<hbm>>) target(%dma_start3A_276 : memref<2x128xi32, #tpu.memory_space<vmem>>) target_semaphore(%run_scoped3A : memref<!tpu.dma_semaphore, #tpu.memory_space<semaphore_mem>>)
      %dma_wait3A_279 = arith.constant 0 : i32
      %dma_wait3A_280 = arith.constant 0 : i32
      %dma_wait3A_281 = tpu.memref_slice %arg7[%dma_wait3A_279, %dma_wait3A_280] : memref<4x128xi32, #tpu.memory_space<vmem>> -> memref<2x128xi32, #tpu.memory_space<vmem>>
      %dma_wait3A_282 = arith.constant 0 : i32
      %dma_wait3A_283 = tpu.memref_slice %arg2[%add3A_4, %dma_wait3A_282] : memref<128x128xi32, #tpu.memory_space<hbm>> -> memref<2x128xi32, #tpu.memory_space<hbm>>
      %dma_wait3A_284 = arith.constant 0 : i32
      %dma_wait3A_285 = arith.constant 0 : i32
      %dma_wait3A_286 = tpu.memref_slice %arg7[%dma_wait3A_284, %dma_wait3A_285] : memref<4x128xi32, #tpu.memory_space<vmem>> -> memref<2x128xi32, #tpu.memory_space<vmem>>
      %dma_wait3A_287 = arith.constant 0 : i32
      %dma_wait3A_288 = tpu.memref_slice %arg2[%add3A_4, %dma_wait3A_287] : memref<128x128xi32, #tpu.memory_space<hbm>> -> memref<2x128xi32, #tpu.memory_space<hbm>>
      tpu.wait_dma2 semaphore(%run_scoped3A : memref<!tpu.dma_semaphore, #tpu.memory_space<semaphore_mem>>) src(%dma_wait3A_288 : memref<2x128xi32, #tpu.memory_space<hbm>>) dst(%dma_wait3A_286 : memref<2x128xi32, #tpu.memory_space<vmem>>)
      tpu.yield
    }) : () -> ()
    %add3A_5 = arith.constant 64 : i32
    %add3A_6 = arith.addi %add3A_5, %mul3A_2 : i32
    "tpu.region"() ({
      %run_scoped3A = tpu.sem_alloc : memref<!tpu.dma_semaphore, #tpu.memory_space<semaphore_mem>>
      %dma_start3A_269 = arith.constant 2 : i32
      %dma_start3A_270 = arith.constant 0 : i32
      %dma_start3A_271 = tpu.memref_slice %arg7[%dma_start3A_269, %dma_start3A_270] : memref<4x128xi32, #tpu.memory_space<vmem>> -> memref<2x128xi32, #tpu.memory_space<vmem>>
      %dma_start3A_272 = arith.constant 0 : i32
      %dma_start3A_273 = tpu.memref_slice %arg3[%add3A_6, %dma_start3A_272] : memref<128x128xi32, #tpu.memory_space<hbm>> -> memref<2x128xi32, #tpu.memory_space<hbm>>
      %dma_start3A_274 = arith.constant 2 : i32
      %dma_start3A_275 = arith.constant 0 : i32
      %dma_start3A_276 = tpu.memref_slice %arg7[%dma_start3A_274, %dma_start3A_275] : memref<4x128xi32, #tpu.memory_space<vmem>> -> memref<2x128xi32, #tpu.memory_space<vmem>>
      %dma_start3A_277 = arith.constant 0 : i32
      %dma_start3A_278 = tpu.memref_slice %arg3[%add3A_6, %dma_start3A_277] : memref<128x128xi32, #tpu.memory_space<hbm>> -> memref<2x128xi32, #tpu.memory_space<hbm>>
      tpu.enqueue_dma source(%dma_start3A_278 : memref<2x128xi32, #tpu.memory_space<hbm>>) target(%dma_start3A_276 : memref<2x128xi32, #tpu.memory_space<vmem>>) target_semaphore(%run_scoped3A : memref<!tpu.dma_semaphore, #tpu.memory_space<semaphore_mem>>)
      %dma_wait3A_279 = arith.constant 2 : i32
      %dma_wait3A_280 = arith.constant 0 : i32
      %dma_wait3A_281 = tpu.memref_slice %arg7[%dma_wait3A_279, %dma_wait3A_280] : memref<4x128xi32, #tpu.memory_space<vmem>> -> memref<2x128xi32, #tpu.memory_space<vmem>>
      %dma_wait3A_282 = arith.constant 0 : i32
      %dma_wait3A_283 = tpu.memref_slice %arg3[%add3A_6, %dma_wait3A_282] : memref<128x128xi32, #tpu.memory_space<hbm>> -> memref<2x128xi32, #tpu.memory_space<hbm>>
      %dma_wait3A_284 = arith.constant 2 : i32
      %dma_wait3A_285 = arith.constant 0 : i32
      %dma_wait3A_286 = tpu.memref_slice %arg7[%dma_wait3A_284, %dma_wait3A_285] : memref<4x128xi32, #tpu.memory_space<vmem>> -> memref<2x128xi32, #tpu.memory_space<vmem>>
      %dma_wait3A_287 = arith.constant 0 : i32
      %dma_wait3A_288 = tpu.memref_slice %arg3[%add3A_6, %dma_wait3A_287] : memref<128x128xi32, #tpu.memory_space<hbm>> -> memref<2x128xi32, #tpu.memory_space<hbm>>
      tpu.wait_dma2 semaphore(%run_scoped3A : memref<!tpu.dma_semaphore, #tpu.memory_space<semaphore_mem>>) src(%dma_wait3A_288 : memref<2x128xi32, #tpu.memory_space<hbm>>) dst(%dma_wait3A_286 : memref<2x128xi32, #tpu.memory_space<vmem>>)
      tpu.yield
    }) : () -> ()
    %dma_start3A = arith.constant 0 : i32
    %dma_start3A_7 = arith.constant 0 : i32
    %dma_start3A_8 = arith.constant 0 : i32
    %dma_start3A_9 = arith.constant 0 : i32
    %dma_start3A_10 = arith.constant 0 : i32
    %dma_start3A_11 = tpu.memref_slice %arg8[%dma_start3A_7, %dma_start3A_9, %dma_start3A_10] : memref<4x128x128xf32, #tpu.memory_space<vmem>> -> memref<1x128x128xf32, #tpu.memory_space<vmem>>
    %dma_start3A_12 = tpu.memref_squeeze %dma_start3A_11 : memref<1x128x128xf32, #tpu.memory_space<vmem>> -> memref<128x128xf32, #tpu.memory_space<vmem>>
    %dma_start3A_13 = arith.constant 0 : i32
    %dma_start3A_14 = tpu.memref_slice %arg7[%dma_start3A, %dma_start3A_13] : memref<4x128xi32, #tpu.memory_space<vmem>> -> memref<1x128xi32, #tpu.memory_space<vmem>>
    %dma_start3A_15 = tpu.memref_squeeze %dma_start3A_14 : memref<1x128xi32, #tpu.memory_space<vmem>> -> memref<128xi32, #tpu.memory_space<vmem>>
    %dma_start3A_16 = arith.constant 0 : i32
    %dma_start3A_17 = arith.constant 0 : i32
    %dma_start3A_18 = tpu.memref_slice %arg4[%dma_start3A_16, %dma_start3A_17] : memref<100000x128xf32, #tpu.memory_space<hbm>> -> memref<100000x128xf32, #tpu.memory_space<hbm>>
    %dma_start3A_19 = tpu.memref_slice %arg9[%dma_start3A_8] : memref<4x!tpu.dma_semaphore, #tpu.memory_space<semaphore_mem>> -> memref<1x!tpu.dma_semaphore, #tpu.memory_space<semaphore_mem>>
    %dma_start3A_20 = tpu.memref_squeeze %dma_start3A_19 : memref<1x!tpu.dma_semaphore, #tpu.memory_space<semaphore_mem>> -> memref<!tpu.dma_semaphore, #tpu.memory_space<semaphore_mem>>
    tpu.enqueue_indirect_dma source(%dma_start3A_18 : memref<100000x128xf32, #tpu.memory_space<hbm>>) target(%dma_start3A_12 : memref<128x128xf32, #tpu.memory_space<vmem>>) offsets(%dma_start3A_15 : memref<128xi32, #tpu.memory_space<vmem>>) semaphore(%dma_start3A_20 : memref<!tpu.dma_semaphore, #tpu.memory_space<semaphore_mem>>)
    %dma_start3A_21 = arith.constant 1 : i32
    %dma_start3A_22 = arith.constant 1 : i32
    %dma_start3A_23 = arith.constant 1 : i32
    %dma_start3A_24 = arith.constant 0 : i32
    %dma_start3A_25 = arith.constant 0 : i32
    %dma_start3A_26 = tpu.memref_slice %arg8[%dma_start3A_22, %dma_start3A_24, %dma_start3A_25] : memref<4x128x128xf32, #tpu.memory_space<vmem>> -> memref<1x128x128xf32, #tpu.memory_space<vmem>>
    %dma_start3A_27 = tpu.memref_squeeze %dma_start3A_26 : memref<1x128x128xf32, #tpu.memory_space<vmem>> -> memref<128x128xf32, #tpu.memory_space<vmem>>
    %dma_start3A_28 = arith.constant 0 : i32
    %dma_start3A_29 = tpu.memref_slice %arg7[%dma_start3A_21, %dma_start3A_28] : memref<4x128xi32, #tpu.memory_space<vmem>> -> memref<1x128xi32, #tpu.memory_space<vmem>>
    %dma_start3A_30 = tpu.memref_squeeze %dma_start3A_29 : memref<1x128xi32, #tpu.memory_space<vmem>> -> memref<128xi32, #tpu.memory_space<vmem>>
    %dma_start3A_31 = arith.constant 0 : i32
    %dma_start3A_32 = arith.constant 0 : i32
    %dma_start3A_33 = tpu.memref_slice %arg4[%dma_start3A_31, %dma_start3A_32] : memref<100000x128xf32, #tpu.memory_space<hbm>> -> memref<100000x128xf32, #tpu.memory_space<hbm>>
    %dma_start3A_34 = tpu.memref_slice %arg9[%dma_start3A_23] : memref<4x!tpu.dma_semaphore, #tpu.memory_space<semaphore_mem>> -> memref<1x!tpu.dma_semaphore, #tpu.memory_space<semaphore_mem>>
    %dma_start3A_35 = tpu.memref_squeeze %dma_start3A_34 : memref<1x!tpu.dma_semaphore, #tpu.memory_space<semaphore_mem>> -> memref<!tpu.dma_semaphore, #tpu.memory_space<semaphore_mem>>
    tpu.enqueue_indirect_dma source(%dma_start3A_33 : memref<100000x128xf32, #tpu.memory_space<hbm>>) target(%dma_start3A_27 : memref<128x128xf32, #tpu.memory_space<vmem>>) offsets(%dma_start3A_30 : memref<128xi32, #tpu.memory_space<vmem>>) semaphore(%dma_start3A_35 : memref<!tpu.dma_semaphore, #tpu.memory_space<semaphore_mem>>)
    %dma_wait3A = arith.constant 0 : i32
    %dma_wait3A_36 = arith.constant 0 : i32
    %dma_wait3A_37 = arith.constant 0 : i32
    %dma_wait3A_38 = arith.constant 0 : i32
    %dma_wait3A_39 = arith.constant 0 : i32
    %dma_wait3A_40 = tpu.memref_slice %arg8[%dma_wait3A_36, %dma_wait3A_38, %dma_wait3A_39] : memref<4x128x128xf32, #tpu.memory_space<vmem>> -> memref<1x128x128xf32, #tpu.memory_space<vmem>>
    %dma_wait3A_41 = tpu.memref_squeeze %dma_wait3A_40 : memref<1x128x128xf32, #tpu.memory_space<vmem>> -> memref<128x128xf32, #tpu.memory_space<vmem>>
    %dma_wait3A_42 = arith.constant 0 : i32
    %dma_wait3A_43 = tpu.memref_slice %arg7[%dma_wait3A, %dma_wait3A_42] : memref<4x128xi32, #tpu.memory_space<vmem>> -> memref<1x128xi32, #tpu.memory_space<vmem>>
    %dma_wait3A_44 = tpu.memref_squeeze %dma_wait3A_43 : memref<1x128xi32, #tpu.memory_space<vmem>> -> memref<128xi32, #tpu.memory_space<vmem>>
    %dma_wait3A_45 = arith.constant 0 : i32
    %dma_wait3A_46 = arith.constant 0 : i32
    %dma_wait3A_47 = tpu.memref_slice %arg4[%dma_wait3A_45, %dma_wait3A_46] : memref<100000x128xf32, #tpu.memory_space<hbm>> -> memref<100000x128xf32, #tpu.memory_space<hbm>>
    %dma_wait3A_48 = tpu.memref_slice %arg9[%dma_wait3A_37] : memref<4x!tpu.dma_semaphore, #tpu.memory_space<semaphore_mem>> -> memref<1x!tpu.dma_semaphore, #tpu.memory_space<semaphore_mem>>
    %dma_wait3A_49 = tpu.memref_squeeze %dma_wait3A_48 : memref<1x!tpu.dma_semaphore, #tpu.memory_space<semaphore_mem>> -> memref<!tpu.dma_semaphore, #tpu.memory_space<semaphore_mem>>
    tpu.wait_indirect_dma semaphore(%dma_wait3A_49 : memref<!tpu.dma_semaphore, #tpu.memory_space<semaphore_mem>>) src(%dma_wait3A_47 : memref<100000x128xf32, #tpu.memory_space<hbm>>) dst(%dma_wait3A_41 : memref<128x128xf32, #tpu.memory_space<vmem>>)
    %add3A_50 = arith.constant 0 : i32
    %add3A_51 = arith.addi %mul3A_2, %add3A_50 : i32
    %mul3A_52 = arith.constant 128 : i32
    %mul3A_53 = arith.muli %add3A_51, %mul3A_52 : i32
    %dma_start3A_54 = arith.constant 0 : i32
    %dma_start3A_55 = arith.constant 0 : i32
    %dma_start3A_56 = arith.constant 0 : i32
    %dma_start3A_57 = arith.constant 0 : i32
    %dma_start3A_58 = tpu.memref_slice %arg8[%dma_start3A_54, %dma_start3A_56, %dma_start3A_57] : memref<4x128x128xf32, #tpu.memory_space<vmem>> -> memref<1x128x128xf32, #tpu.memory_space<vmem>>
    %dma_start3A_59 = tpu.memref_squeeze %dma_start3A_58 : memref<1x128x128xf32, #tpu.memory_space<vmem>> -> memref<128x128xf32, #tpu.memory_space<vmem>>
    %dma_start3A_60 = arith.constant 0 : i32
    %dma_start3A_61 = tpu.memref_slice %arg6[%mul3A_53, %dma_start3A_60] : memref<8192x256xf32, #tpu.memory_space<hbm>> -> memref<128x128xf32, #tpu.memory_space<hbm>>
    %dma_start3A_62 = tpu.memref_slice %arg10[%dma_start3A_55] : memref<4x!tpu.dma_semaphore, #tpu.memory_space<semaphore_mem>> -> memref<1x!tpu.dma_semaphore, #tpu.memory_space<semaphore_mem>>
    %dma_start3A_63 = tpu.memref_squeeze %dma_start3A_62 : memref<1x!tpu.dma_semaphore, #tpu.memory_space<semaphore_mem>> -> memref<!tpu.dma_semaphore, #tpu.memory_space<semaphore_mem>>
    %dma_start3A_64 = arith.constant 0 : i32
    %dma_start3A_65 = tpu.memref_slice %arg6[%mul3A_53, %dma_start3A_64] : memref<8192x256xf32, #tpu.memory_space<hbm>> -> memref<128x128xf32, #tpu.memory_space<hbm>>
    %dma_start3A_66 = arith.constant 0 : i32
    %dma_start3A_67 = arith.constant 0 : i32
    %dma_start3A_68 = tpu.memref_slice %arg8[%dma_start3A_54, %dma_start3A_66, %dma_start3A_67] : memref<4x128x128xf32, #tpu.memory_space<vmem>> -> memref<1x128x128xf32, #tpu.memory_space<vmem>>
    %dma_start3A_69 = tpu.memref_squeeze %dma_start3A_68 : memref<1x128x128xf32, #tpu.memory_space<vmem>> -> memref<128x128xf32, #tpu.memory_space<vmem>>
    tpu.enqueue_dma source(%dma_start3A_69 : memref<128x128xf32, #tpu.memory_space<vmem>>) target(%dma_start3A_65 : memref<128x128xf32, #tpu.memory_space<hbm>>) target_semaphore(%dma_start3A_63 : memref<!tpu.dma_semaphore, #tpu.memory_space<semaphore_mem>>)
    %dma_start3A_70 = arith.constant 2 : i32
    %dma_start3A_71 = arith.constant 2 : i32
    %dma_start3A_72 = arith.constant 2 : i32
    %dma_start3A_73 = arith.constant 0 : i32
    %dma_start3A_74 = arith.constant 0 : i32
    %dma_start3A_75 = tpu.memref_slice %arg8[%dma_start3A_71, %dma_start3A_73, %dma_start3A_74] : memref<4x128x128xf32, #tpu.memory_space<vmem>> -> memref<1x128x128xf32, #tpu.memory_space<vmem>>
    %dma_start3A_76 = tpu.memref_squeeze %dma_start3A_75 : memref<1x128x128xf32, #tpu.memory_space<vmem>> -> memref<128x128xf32, #tpu.memory_space<vmem>>
    %dma_start3A_77 = arith.constant 0 : i32
    %dma_start3A_78 = tpu.memref_slice %arg7[%dma_start3A_70, %dma_start3A_77] : memref<4x128xi32, #tpu.memory_space<vmem>> -> memref<1x128xi32, #tpu.memory_space<vmem>>
    %dma_start3A_79 = tpu.memref_squeeze %dma_start3A_78 : memref<1x128xi32, #tpu.memory_space<vmem>> -> memref<128xi32, #tpu.memory_space<vmem>>
    %dma_start3A_80 = arith.constant 0 : i32
    %dma_start3A_81 = arith.constant 0 : i32
    %dma_start3A_82 = tpu.memref_slice %arg5[%dma_start3A_80, %dma_start3A_81] : memref<100000x128xf32, #tpu.memory_space<hbm>> -> memref<100000x128xf32, #tpu.memory_space<hbm>>
    %dma_start3A_83 = tpu.memref_slice %arg9[%dma_start3A_72] : memref<4x!tpu.dma_semaphore, #tpu.memory_space<semaphore_mem>> -> memref<1x!tpu.dma_semaphore, #tpu.memory_space<semaphore_mem>>
    %dma_start3A_84 = tpu.memref_squeeze %dma_start3A_83 : memref<1x!tpu.dma_semaphore, #tpu.memory_space<semaphore_mem>> -> memref<!tpu.dma_semaphore, #tpu.memory_space<semaphore_mem>>
    tpu.enqueue_indirect_dma source(%dma_start3A_82 : memref<100000x128xf32, #tpu.memory_space<hbm>>) target(%dma_start3A_76 : memref<128x128xf32, #tpu.memory_space<vmem>>) offsets(%dma_start3A_79 : memref<128xi32, #tpu.memory_space<vmem>>) semaphore(%dma_start3A_84 : memref<!tpu.dma_semaphore, #tpu.memory_space<semaphore_mem>>)
    %dma_wait3A_85 = arith.constant 1 : i32
    %dma_wait3A_86 = arith.constant 1 : i32
    %dma_wait3A_87 = arith.constant 1 : i32
    %dma_wait3A_88 = arith.constant 0 : i32
    %dma_wait3A_89 = arith.constant 0 : i32
    %dma_wait3A_90 = tpu.memref_slice %arg8[%dma_wait3A_86, %dma_wait3A_88, %dma_wait3A_89] : memref<4x128x128xf32, #tpu.memory_space<vmem>> -> memref<1x128x128xf32, #tpu.memory_space<vmem>>
    %dma_wait3A_91 = tpu.memref_squeeze %dma_wait3A_90 : memref<1x128x128xf32, #tpu.memory_space<vmem>> -> memref<128x128xf32, #tpu.memory_space<vmem>>
    %dma_wait3A_92 = arith.constant 0 : i32
    %dma_wait3A_93 = tpu.memref_slice %arg7[%dma_wait3A_85, %dma_wait3A_92] : memref<4x128xi32, #tpu.memory_space<vmem>> -> memref<1x128xi32, #tpu.memory_space<vmem>>
    %dma_wait3A_94 = tpu.memref_squeeze %dma_wait3A_93 : memref<1x128xi32, #tpu.memory_space<vmem>> -> memref<128xi32, #tpu.memory_space<vmem>>
    %dma_wait3A_95 = arith.constant 0 : i32
    %dma_wait3A_96 = arith.constant 0 : i32
    %dma_wait3A_97 = tpu.memref_slice %arg4[%dma_wait3A_95, %dma_wait3A_96] : memref<100000x128xf32, #tpu.memory_space<hbm>> -> memref<100000x128xf32, #tpu.memory_space<hbm>>
    %dma_wait3A_98 = tpu.memref_slice %arg9[%dma_wait3A_87] : memref<4x!tpu.dma_semaphore, #tpu.memory_space<semaphore_mem>> -> memref<1x!tpu.dma_semaphore, #tpu.memory_space<semaphore_mem>>
    %dma_wait3A_99 = tpu.memref_squeeze %dma_wait3A_98 : memref<1x!tpu.dma_semaphore, #tpu.memory_space<semaphore_mem>> -> memref<!tpu.dma_semaphore, #tpu.memory_space<semaphore_mem>>
    tpu.wait_indirect_dma semaphore(%dma_wait3A_99 : memref<!tpu.dma_semaphore, #tpu.memory_space<semaphore_mem>>) src(%dma_wait3A_97 : memref<100000x128xf32, #tpu.memory_space<hbm>>) dst(%dma_wait3A_91 : memref<128x128xf32, #tpu.memory_space<vmem>>)
    %add3A_100 = arith.constant 1 : i32
    %add3A_101 = arith.addi %mul3A_2, %add3A_100 : i32
    %mul3A_102 = arith.constant 128 : i32
    %mul3A_103 = arith.muli %add3A_101, %mul3A_102 : i32
    %dma_start3A_104 = arith.constant 1 : i32
    %dma_start3A_105 = arith.constant 1 : i32
    %dma_start3A_106 = arith.constant 0 : i32
    %dma_start3A_107 = arith.constant 0 : i32
    %dma_start3A_108 = tpu.memref_slice %arg8[%dma_start3A_104, %dma_start3A_106, %dma_start3A_107] : memref<4x128x128xf32, #tpu.memory_space<vmem>> -> memref<1x128x128xf32, #tpu.memory_space<vmem>>
    %dma_start3A_109 = tpu.memref_squeeze %dma_start3A_108 : memref<1x128x128xf32, #tpu.memory_space<vmem>> -> memref<128x128xf32, #tpu.memory_space<vmem>>
    %dma_start3A_110 = arith.constant 0 : i32
    %dma_start3A_111 = tpu.memref_slice %arg6[%mul3A_103, %dma_start3A_110] : memref<8192x256xf32, #tpu.memory_space<hbm>> -> memref<128x128xf32, #tpu.memory_space<hbm>>
    %dma_start3A_112 = tpu.memref_slice %arg10[%dma_start3A_105] : memref<4x!tpu.dma_semaphore, #tpu.memory_space<semaphore_mem>> -> memref<1x!tpu.dma_semaphore, #tpu.memory_space<semaphore_mem>>
    %dma_start3A_113 = tpu.memref_squeeze %dma_start3A_112 : memref<1x!tpu.dma_semaphore, #tpu.memory_space<semaphore_mem>> -> memref<!tpu.dma_semaphore, #tpu.memory_space<semaphore_mem>>
    %dma_start3A_114 = arith.constant 0 : i32
    %dma_start3A_115 = tpu.memref_slice %arg6[%mul3A_103, %dma_start3A_114] : memref<8192x256xf32, #tpu.memory_space<hbm>> -> memref<128x128xf32, #tpu.memory_space<hbm>>
    %dma_start3A_116 = arith.constant 0 : i32
    %dma_start3A_117 = arith.constant 0 : i32
    %dma_start3A_118 = tpu.memref_slice %arg8[%dma_start3A_104, %dma_start3A_116, %dma_start3A_117] : memref<4x128x128xf32, #tpu.memory_space<vmem>> -> memref<1x128x128xf32, #tpu.memory_space<vmem>>
    %dma_start3A_119 = tpu.memref_squeeze %dma_start3A_118 : memref<1x128x128xf32, #tpu.memory_space<vmem>> -> memref<128x128xf32, #tpu.memory_space<vmem>>
    tpu.enqueue_dma source(%dma_start3A_119 : memref<128x128xf32, #tpu.memory_space<vmem>>) target(%dma_start3A_115 : memref<128x128xf32, #tpu.memory_space<hbm>>) target_semaphore(%dma_start3A_113 : memref<!tpu.dma_semaphore, #tpu.memory_space<semaphore_mem>>)
    %dma_start3A_120 = arith.constant 3 : i32
    %dma_start3A_121 = arith.constant 3 : i32
    %dma_start3A_122 = arith.constant 3 : i32
    %dma_start3A_123 = arith.constant 0 : i32
    %dma_start3A_124 = arith.constant 0 : i32
    %dma_start3A_125 = tpu.memref_slice %arg8[%dma_start3A_121, %dma_start3A_123, %dma_start3A_124] : memref<4x128x128xf32, #tpu.memory_space<vmem>> -> memref<1x128x128xf32, #tpu.memory_space<vmem>>
    %dma_start3A_126 = tpu.memref_squeeze %dma_start3A_125 : memref<1x128x128xf32, #tpu.memory_space<vmem>> -> memref<128x128xf32, #tpu.memory_space<vmem>>
    %dma_start3A_127 = arith.constant 0 : i32
    %dma_start3A_128 = tpu.memref_slice %arg7[%dma_start3A_120, %dma_start3A_127] : memref<4x128xi32, #tpu.memory_space<vmem>> -> memref<1x128xi32, #tpu.memory_space<vmem>>
    %dma_start3A_129 = tpu.memref_squeeze %dma_start3A_128 : memref<1x128xi32, #tpu.memory_space<vmem>> -> memref<128xi32, #tpu.memory_space<vmem>>
    %dma_start3A_130 = arith.constant 0 : i32
    %dma_start3A_131 = arith.constant 0 : i32
    %dma_start3A_132 = tpu.memref_slice %arg5[%dma_start3A_130, %dma_start3A_131] : memref<100000x128xf32, #tpu.memory_space<hbm>> -> memref<100000x128xf32, #tpu.memory_space<hbm>>
    %dma_start3A_133 = tpu.memref_slice %arg9[%dma_start3A_122] : memref<4x!tpu.dma_semaphore, #tpu.memory_space<semaphore_mem>> -> memref<1x!tpu.dma_semaphore, #tpu.memory_space<semaphore_mem>>
    %dma_start3A_134 = tpu.memref_squeeze %dma_start3A_133 : memref<1x!tpu.dma_semaphore, #tpu.memory_space<semaphore_mem>> -> memref<!tpu.dma_semaphore, #tpu.memory_space<semaphore_mem>>
    tpu.enqueue_indirect_dma source(%dma_start3A_132 : memref<100000x128xf32, #tpu.memory_space<hbm>>) target(%dma_start3A_126 : memref<128x128xf32, #tpu.memory_space<vmem>>) offsets(%dma_start3A_129 : memref<128xi32, #tpu.memory_space<vmem>>) semaphore(%dma_start3A_134 : memref<!tpu.dma_semaphore, #tpu.memory_space<semaphore_mem>>)
    %dma_wait3A_135 = arith.constant 2 : i32
    %dma_wait3A_136 = arith.constant 2 : i32
    %dma_wait3A_137 = arith.constant 2 : i32
    %dma_wait3A_138 = arith.constant 0 : i32
    %dma_wait3A_139 = arith.constant 0 : i32
    %dma_wait3A_140 = tpu.memref_slice %arg8[%dma_wait3A_136, %dma_wait3A_138, %dma_wait3A_139] : memref<4x128x128xf32, #tpu.memory_space<vmem>> -> memref<1x128x128xf32, #tpu.memory_space<vmem>>
    %dma_wait3A_141 = tpu.memref_squeeze %dma_wait3A_140 : memref<1x128x128xf32, #tpu.memory_space<vmem>> -> memref<128x128xf32, #tpu.memory_space<vmem>>
    %dma_wait3A_142 = arith.constant 0 : i32
    %dma_wait3A_143 = tpu.memref_slice %arg7[%dma_wait3A_135, %dma_wait3A_142] : memref<4x128xi32, #tpu.memory_space<vmem>> -> memref<1x128xi32, #tpu.memory_space<vmem>>
    %dma_wait3A_144 = tpu.memref_squeeze %dma_wait3A_143 : memref<1x128xi32, #tpu.memory_space<vmem>> -> memref<128xi32, #tpu.memory_space<vmem>>
    %dma_wait3A_145 = arith.constant 0 : i32
    %dma_wait3A_146 = arith.constant 0 : i32
    %dma_wait3A_147 = tpu.memref_slice %arg5[%dma_wait3A_145, %dma_wait3A_146] : memref<100000x128xf32, #tpu.memory_space<hbm>> -> memref<100000x128xf32, #tpu.memory_space<hbm>>
    %dma_wait3A_148 = tpu.memref_slice %arg9[%dma_wait3A_137] : memref<4x!tpu.dma_semaphore, #tpu.memory_space<semaphore_mem>> -> memref<1x!tpu.dma_semaphore, #tpu.memory_space<semaphore_mem>>
    %dma_wait3A_149 = tpu.memref_squeeze %dma_wait3A_148 : memref<1x!tpu.dma_semaphore, #tpu.memory_space<semaphore_mem>> -> memref<!tpu.dma_semaphore, #tpu.memory_space<semaphore_mem>>
    tpu.wait_indirect_dma semaphore(%dma_wait3A_149 : memref<!tpu.dma_semaphore, #tpu.memory_space<semaphore_mem>>) src(%dma_wait3A_147 : memref<100000x128xf32, #tpu.memory_space<hbm>>) dst(%dma_wait3A_141 : memref<128x128xf32, #tpu.memory_space<vmem>>)
    %add3A_150 = arith.constant 0 : i32
    %add3A_151 = arith.addi %mul3A_2, %add3A_150 : i32
    %mul3A_152 = arith.constant 128 : i32
    %mul3A_153 = arith.muli %add3A_151, %mul3A_152 : i32
    %dma_start3A_154 = arith.constant 2 : i32
    %dma_start3A_155 = arith.constant 2 : i32
    %dma_start3A_156 = arith.constant 0 : i32
    %dma_start3A_157 = arith.constant 0 : i32
    %dma_start3A_158 = tpu.memref_slice %arg8[%dma_start3A_154, %dma_start3A_156, %dma_start3A_157] : memref<4x128x128xf32, #tpu.memory_space<vmem>> -> memref<1x128x128xf32, #tpu.memory_space<vmem>>
    %dma_start3A_159 = tpu.memref_squeeze %dma_start3A_158 : memref<1x128x128xf32, #tpu.memory_space<vmem>> -> memref<128x128xf32, #tpu.memory_space<vmem>>
    %dma_start3A_160 = arith.constant 128 : i32
    %dma_start3A_161 = tpu.memref_slice %arg6[%mul3A_153, %dma_start3A_160] : memref<8192x256xf32, #tpu.memory_space<hbm>> -> memref<128x128xf32, #tpu.memory_space<hbm>>
    %dma_start3A_162 = tpu.memref_slice %arg10[%dma_start3A_155] : memref<4x!tpu.dma_semaphore, #tpu.memory_space<semaphore_mem>> -> memref<1x!tpu.dma_semaphore, #tpu.memory_space<semaphore_mem>>
    %dma_start3A_163 = tpu.memref_squeeze %dma_start3A_162 : memref<1x!tpu.dma_semaphore, #tpu.memory_space<semaphore_mem>> -> memref<!tpu.dma_semaphore, #tpu.memory_space<semaphore_mem>>
    %dma_start3A_164 = arith.constant 128 : i32
    %dma_start3A_165 = tpu.memref_slice %arg6[%mul3A_153, %dma_start3A_164] : memref<8192x256xf32, #tpu.memory_space<hbm>> -> memref<128x128xf32, #tpu.memory_space<hbm>>
    %dma_start3A_166 = arith.constant 0 : i32
    %dma_start3A_167 = arith.constant 0 : i32
    %dma_start3A_168 = tpu.memref_slice %arg8[%dma_start3A_154, %dma_start3A_166, %dma_start3A_167] : memref<4x128x128xf32, #tpu.memory_space<vmem>> -> memref<1x128x128xf32, #tpu.memory_space<vmem>>
    %dma_start3A_169 = tpu.memref_squeeze %dma_start3A_168 : memref<1x128x128xf32, #tpu.memory_space<vmem>> -> memref<128x128xf32, #tpu.memory_space<vmem>>
    tpu.enqueue_dma source(%dma_start3A_169 : memref<128x128xf32, #tpu.memory_space<vmem>>) target(%dma_start3A_165 : memref<128x128xf32, #tpu.memory_space<hbm>>) target_semaphore(%dma_start3A_163 : memref<!tpu.dma_semaphore, #tpu.memory_space<semaphore_mem>>)
    %dma_wait3A_170 = arith.constant 3 : i32
    %dma_wait3A_171 = arith.constant 3 : i32
    %dma_wait3A_172 = arith.constant 3 : i32
    %dma_wait3A_173 = arith.constant 0 : i32
    %dma_wait3A_174 = arith.constant 0 : i32
    %dma_wait3A_175 = tpu.memref_slice %arg8[%dma_wait3A_171, %dma_wait3A_173, %dma_wait3A_174] : memref<4x128x128xf32, #tpu.memory_space<vmem>> -> memref<1x128x128xf32, #tpu.memory_space<vmem>>
    %dma_wait3A_176 = tpu.memref_squeeze %dma_wait3A_175 : memref<1x128x128xf32, #tpu.memory_space<vmem>> -> memref<128x128xf32, #tpu.memory_space<vmem>>
    %dma_wait3A_177 = arith.constant 0 : i32
    %dma_wait3A_178 = tpu.memref_slice %arg7[%dma_wait3A_170, %dma_wait3A_177] : memref<4x128xi32, #tpu.memory_space<vmem>> -> memref<1x128xi32, #tpu.memory_space<vmem>>
    %dma_wait3A_179 = tpu.memref_squeeze %dma_wait3A_178 : memref<1x128xi32, #tpu.memory_space<vmem>> -> memref<128xi32, #tpu.memory_space<vmem>>
    %dma_wait3A_180 = arith.constant 0 : i32
    %dma_wait3A_181 = arith.constant 0 : i32
    %dma_wait3A_182 = tpu.memref_slice %arg5[%dma_wait3A_180, %dma_wait3A_181] : memref<100000x128xf32, #tpu.memory_space<hbm>> -> memref<100000x128xf32, #tpu.memory_space<hbm>>
    %dma_wait3A_183 = tpu.memref_slice %arg9[%dma_wait3A_172] : memref<4x!tpu.dma_semaphore, #tpu.memory_space<semaphore_mem>> -> memref<1x!tpu.dma_semaphore, #tpu.memory_space<semaphore_mem>>
    %dma_wait3A_184 = tpu.memref_squeeze %dma_wait3A_183 : memref<1x!tpu.dma_semaphore, #tpu.memory_space<semaphore_mem>> -> memref<!tpu.dma_semaphore, #tpu.memory_space<semaphore_mem>>
    tpu.wait_indirect_dma semaphore(%dma_wait3A_184 : memref<!tpu.dma_semaphore, #tpu.memory_space<semaphore_mem>>) src(%dma_wait3A_182 : memref<100000x128xf32, #tpu.memory_space<hbm>>) dst(%dma_wait3A_176 : memref<128x128xf32, #tpu.memory_space<vmem>>)
    %add3A_185 = arith.constant 1 : i32
    %add3A_186 = arith.addi %mul3A_2, %add3A_185 : i32
    %mul3A_187 = arith.constant 128 : i32
    %mul3A_188 = arith.muli %add3A_186, %mul3A_187 : i32
    %dma_start3A_189 = arith.constant 3 : i32
    %dma_start3A_190 = arith.constant 3 : i32
    %dma_start3A_191 = arith.constant 0 : i32
    %dma_start3A_192 = arith.constant 0 : i32
    %dma_start3A_193 = tpu.memref_slice %arg8[%dma_start3A_189, %dma_start3A_191, %dma_start3A_192] : memref<4x128x128xf32, #tpu.memory_space<vmem>> -> memref<1x128x128xf32, #tpu.memory_space<vmem>>
    %dma_start3A_194 = tpu.memref_squeeze %dma_start3A_193 : memref<1x128x128xf32, #tpu.memory_space<vmem>> -> memref<128x128xf32, #tpu.memory_space<vmem>>
    %dma_start3A_195 = arith.constant 128 : i32
    %dma_start3A_196 = tpu.memref_slice %arg6[%mul3A_188, %dma_start3A_195] : memref<8192x256xf32, #tpu.memory_space<hbm>> -> memref<128x128xf32, #tpu.memory_space<hbm>>
    %dma_start3A_197 = tpu.memref_slice %arg10[%dma_start3A_190] : memref<4x!tpu.dma_semaphore, #tpu.memory_space<semaphore_mem>> -> memref<1x!tpu.dma_semaphore, #tpu.memory_space<semaphore_mem>>
    %dma_start3A_198 = tpu.memref_squeeze %dma_start3A_197 : memref<1x!tpu.dma_semaphore, #tpu.memory_space<semaphore_mem>> -> memref<!tpu.dma_semaphore, #tpu.memory_space<semaphore_mem>>
    %dma_start3A_199 = arith.constant 128 : i32
    %dma_start3A_200 = tpu.memref_slice %arg6[%mul3A_188, %dma_start3A_199] : memref<8192x256xf32, #tpu.memory_space<hbm>> -> memref<128x128xf32, #tpu.memory_space<hbm>>
    %dma_start3A_201 = arith.constant 0 : i32
    %dma_start3A_202 = arith.constant 0 : i32
    %dma_start3A_203 = tpu.memref_slice %arg8[%dma_start3A_189, %dma_start3A_201, %dma_start3A_202] : memref<4x128x128xf32, #tpu.memory_space<vmem>> -> memref<1x128x128xf32, #tpu.memory_space<vmem>>
    %dma_start3A_204 = tpu.memref_squeeze %dma_start3A_203 : memref<1x128x128xf32, #tpu.memory_space<vmem>> -> memref<128x128xf32, #tpu.memory_space<vmem>>
    tpu.enqueue_dma source(%dma_start3A_204 : memref<128x128xf32, #tpu.memory_space<vmem>>) target(%dma_start3A_200 : memref<128x128xf32, #tpu.memory_space<hbm>>) target_semaphore(%dma_start3A_198 : memref<!tpu.dma_semaphore, #tpu.memory_space<semaphore_mem>>)
    %dma_wait3A_205 = arith.constant 0 : i32
    %dma_wait3A_206 = arith.constant 0 : i32
    %dma_wait3A_207 = arith.constant 0 : i32
    %dma_wait3A_208 = arith.constant 0 : i32
    %dma_wait3A_209 = tpu.memref_slice %arg8[%dma_wait3A_205, %dma_wait3A_207, %dma_wait3A_208] : memref<4x128x128xf32, #tpu.memory_space<vmem>> -> memref<1x128x128xf32, #tpu.memory_space<vmem>>
    %dma_wait3A_210 = tpu.memref_squeeze %dma_wait3A_209 : memref<1x128x128xf32, #tpu.memory_space<vmem>> -> memref<128x128xf32, #tpu.memory_space<vmem>>
    %dma_wait3A_211 = arith.constant 0 : i32
    %dma_wait3A_212 = tpu.memref_slice %arg6[%mul3A_53, %dma_wait3A_211] : memref<8192x256xf32, #tpu.memory_space<hbm>> -> memref<128x128xf32, #tpu.memory_space<hbm>>
    %dma_wait3A_213 = tpu.memref_slice %arg10[%dma_wait3A_206] : memref<4x!tpu.dma_semaphore, #tpu.memory_space<semaphore_mem>> -> memref<1x!tpu.dma_semaphore, #tpu.memory_space<semaphore_mem>>
    %dma_wait3A_214 = tpu.memref_squeeze %dma_wait3A_213 : memref<1x!tpu.dma_semaphore, #tpu.memory_space<semaphore_mem>> -> memref<!tpu.dma_semaphore, #tpu.memory_space<semaphore_mem>>
    %dma_wait3A_215 = arith.constant 0 : i32
    %dma_wait3A_216 = tpu.memref_slice %arg6[%mul3A_53, %dma_wait3A_215] : memref<8192x256xf32, #tpu.memory_space<hbm>> -> memref<128x128xf32, #tpu.memory_space<hbm>>
    %dma_wait3A_217 = arith.constant 0 : i32
    %dma_wait3A_218 = arith.constant 0 : i32
    %dma_wait3A_219 = tpu.memref_slice %arg8[%dma_wait3A_205, %dma_wait3A_217, %dma_wait3A_218] : memref<4x128x128xf32, #tpu.memory_space<vmem>> -> memref<1x128x128xf32, #tpu.memory_space<vmem>>
    %dma_wait3A_220 = tpu.memref_squeeze %dma_wait3A_219 : memref<1x128x128xf32, #tpu.memory_space<vmem>> -> memref<128x128xf32, #tpu.memory_space<vmem>>
    tpu.wait_dma2 semaphore(%dma_wait3A_214 : memref<!tpu.dma_semaphore, #tpu.memory_space<semaphore_mem>>) src(%dma_wait3A_220 : memref<128x128xf32, #tpu.memory_space<vmem>>) dst(%dma_wait3A_216 : memref<128x128xf32, #tpu.memory_space<hbm>>)
    %dma_wait3A_221 = arith.constant 1 : i32
    %dma_wait3A_222 = arith.constant 1 : i32
    %dma_wait3A_223 = arith.constant 0 : i32
    %dma_wait3A_224 = arith.constant 0 : i32
    %dma_wait3A_225 = tpu.memref_slice %arg8[%dma_wait3A_221, %dma_wait3A_223, %dma_wait3A_224] : memref<4x128x128xf32, #tpu.memory_space<vmem>> -> memref<1x128x128xf32, #tpu.memory_space<vmem>>
    %dma_wait3A_226 = tpu.memref_squeeze %dma_wait3A_225 : memref<1x128x128xf32, #tpu.memory_space<vmem>> -> memref<128x128xf32, #tpu.memory_space<vmem>>
    %dma_wait3A_227 = arith.constant 0 : i32
    %dma_wait3A_228 = tpu.memref_slice %arg6[%mul3A_103, %dma_wait3A_227] : memref<8192x256xf32, #tpu.memory_space<hbm>> -> memref<128x128xf32, #tpu.memory_space<hbm>>
    %dma_wait3A_229 = tpu.memref_slice %arg10[%dma_wait3A_222] : memref<4x!tpu.dma_semaphore, #tpu.memory_space<semaphore_mem>> -> memref<1x!tpu.dma_semaphore, #tpu.memory_space<semaphore_mem>>
    %dma_wait3A_230 = tpu.memref_squeeze %dma_wait3A_229 : memref<1x!tpu.dma_semaphore, #tpu.memory_space<semaphore_mem>> -> memref<!tpu.dma_semaphore, #tpu.memory_space<semaphore_mem>>
    %dma_wait3A_231 = arith.constant 0 : i32
    %dma_wait3A_232 = tpu.memref_slice %arg6[%mul3A_103, %dma_wait3A_231] : memref<8192x256xf32, #tpu.memory_space<hbm>> -> memref<128x128xf32, #tpu.memory_space<hbm>>
    %dma_wait3A_233 = arith.constant 0 : i32
    %dma_wait3A_234 = arith.constant 0 : i32
    %dma_wait3A_235 = tpu.memref_slice %arg8[%dma_wait3A_221, %dma_wait3A_233, %dma_wait3A_234] : memref<4x128x128xf32, #tpu.memory_space<vmem>> -> memref<1x128x128xf32, #tpu.memory_space<vmem>>
    %dma_wait3A_236 = tpu.memref_squeeze %dma_wait3A_235 : memref<1x128x128xf32, #tpu.memory_space<vmem>> -> memref<128x128xf32, #tpu.memory_space<vmem>>
    tpu.wait_dma2 semaphore(%dma_wait3A_230 : memref<!tpu.dma_semaphore, #tpu.memory_space<semaphore_mem>>) src(%dma_wait3A_236 : memref<128x128xf32, #tpu.memory_space<vmem>>) dst(%dma_wait3A_232 : memref<128x128xf32, #tpu.memory_space<hbm>>)
    %dma_wait3A_237 = arith.constant 2 : i32
    %dma_wait3A_238 = arith.constant 2 : i32
    %dma_wait3A_239 = arith.constant 0 : i32
    %dma_wait3A_240 = arith.constant 0 : i32
    %dma_wait3A_241 = tpu.memref_slice %arg8[%dma_wait3A_237, %dma_wait3A_239, %dma_wait3A_240] : memref<4x128x128xf32, #tpu.memory_space<vmem>> -> memref<1x128x128xf32, #tpu.memory_space<vmem>>
    %dma_wait3A_242 = tpu.memref_squeeze %dma_wait3A_241 : memref<1x128x128xf32, #tpu.memory_space<vmem>> -> memref<128x128xf32, #tpu.memory_space<vmem>>
    %dma_wait3A_243 = arith.constant 128 : i32
    %dma_wait3A_244 = tpu.memref_slice %arg6[%mul3A_153, %dma_wait3A_243] : memref<8192x256xf32, #tpu.memory_space<hbm>> -> memref<128x128xf32, #tpu.memory_space<hbm>>
    %dma_wait3A_245 = tpu.memref_slice %arg10[%dma_wait3A_238] : memref<4x!tpu.dma_semaphore, #tpu.memory_space<semaphore_mem>> -> memref<1x!tpu.dma_semaphore, #tpu.memory_space<semaphore_mem>>
    %dma_wait3A_246 = tpu.memref_squeeze %dma_wait3A_245 : memref<1x!tpu.dma_semaphore, #tpu.memory_space<semaphore_mem>> -> memref<!tpu.dma_semaphore, #tpu.memory_space<semaphore_mem>>
    %dma_wait3A_247 = arith.constant 128 : i32
    %dma_wait3A_248 = tpu.memref_slice %arg6[%mul3A_153, %dma_wait3A_247] : memref<8192x256xf32, #tpu.memory_space<hbm>> -> memref<128x128xf32, #tpu.memory_space<hbm>>
    %dma_wait3A_249 = arith.constant 0 : i32
    %dma_wait3A_250 = arith.constant 0 : i32
    %dma_wait3A_251 = tpu.memref_slice %arg8[%dma_wait3A_237, %dma_wait3A_249, %dma_wait3A_250] : memref<4x128x128xf32, #tpu.memory_space<vmem>> -> memref<1x128x128xf32, #tpu.memory_space<vmem>>
    %dma_wait3A_252 = tpu.memref_squeeze %dma_wait3A_251 : memref<1x128x128xf32, #tpu.memory_space<vmem>> -> memref<128x128xf32, #tpu.memory_space<vmem>>
    tpu.wait_dma2 semaphore(%dma_wait3A_246 : memref<!tpu.dma_semaphore, #tpu.memory_space<semaphore_mem>>) src(%dma_wait3A_252 : memref<128x128xf32, #tpu.memory_space<vmem>>) dst(%dma_wait3A_248 : memref<128x128xf32, #tpu.memory_space<hbm>>)
    %dma_wait3A_253 = arith.constant 3 : i32
    %dma_wait3A_254 = arith.constant 3 : i32
    %dma_wait3A_255 = arith.constant 0 : i32
    %dma_wait3A_256 = arith.constant 0 : i32
    %dma_wait3A_257 = tpu.memref_slice %arg8[%dma_wait3A_253, %dma_wait3A_255, %dma_wait3A_256] : memref<4x128x128xf32, #tpu.memory_space<vmem>> -> memref<1x128x128xf32, #tpu.memory_space<vmem>>
    %dma_wait3A_258 = tpu.memref_squeeze %dma_wait3A_257 : memref<1x128x128xf32, #tpu.memory_space<vmem>> -> memref<128x128xf32, #tpu.memory_space<vmem>>
    %dma_wait3A_259 = arith.constant 128 : i32
    %dma_wait3A_260 = tpu.memref_slice %arg6[%mul3A_188, %dma_wait3A_259] : memref<8192x256xf32, #tpu.memory_space<hbm>> -> memref<128x128xf32, #tpu.memory_space<hbm>>
    %dma_wait3A_261 = tpu.memref_slice %arg10[%dma_wait3A_254] : memref<4x!tpu.dma_semaphore, #tpu.memory_space<semaphore_mem>> -> memref<1x!tpu.dma_semaphore, #tpu.memory_space<semaphore_mem>>
    %dma_wait3A_262 = tpu.memref_squeeze %dma_wait3A_261 : memref<1x!tpu.dma_semaphore, #tpu.memory_space<semaphore_mem>> -> memref<!tpu.dma_semaphore, #tpu.memory_space<semaphore_mem>>
    %dma_wait3A_263 = arith.constant 128 : i32
    %dma_wait3A_264 = tpu.memref_slice %arg6[%mul3A_188, %dma_wait3A_263] : memref<8192x256xf32, #tpu.memory_space<hbm>> -> memref<128x128xf32, #tpu.memory_space<hbm>>
    %dma_wait3A_265 = arith.constant 0 : i32
    %dma_wait3A_266 = arith.constant 0 : i32
    %dma_wait3A_267 = tpu.memref_slice %arg8[%dma_wait3A_253, %dma_wait3A_265, %dma_wait3A_266] : memref<4x128x128xf32, #tpu.memory_space<vmem>> -> memref<1x128x128xf32, #tpu.memory_space<vmem>>
    %dma_wait3A_268 = tpu.memref_squeeze %dma_wait3A_267 : memref<1x128x128xf32, #tpu.memory_space<vmem>> -> memref<128x128xf32, #tpu.memory_space<vmem>>
    tpu.wait_dma2 semaphore(%dma_wait3A_262 : memref<!tpu.dma_semaphore, #tpu.memory_space<semaphore_mem>>) src(%dma_wait3A_268 : memref<128x128xf32, #tpu.memory_space<vmem>>) dst(%dma_wait3A_264 : memref<128x128xf32, #tpu.memory_space<hbm>>)
    return
  }
}

#map = affine_map<(d0, d1) -> (0, 0)>
module attributes {stable_mosaic.version = 14 : i64} {
  func.func @_lambda_(%arg0: i32, %arg1: i32, %arg2: memref<128x128xi32, #tpu.memory_space<hbm>>, %arg3: memref<128x128xi32, #tpu.memory_space<hbm>>, %arg4: memref<100000x128xf32, #tpu.memory_space<hbm>>, %arg5: memref<100000x128xf32, #tpu.memory_space<hbm>>, %arg6: memref<8192x256xf32, #tpu.memory_space<hbm>>, %arg7: memref<4x128xi32, #tpu.memory_space<vmem>>, %arg8: memref<4x128x128xf32, #tpu.memory_space<vmem>>, %arg9: memref<4x!tpu.dma_semaphore, #tpu.memory_space<semaphore_mem>>, %arg10: memref<4x!tpu.dma_semaphore, #tpu.memory_space<semaphore_mem>>) attributes {dimension_semantics = [#tpu.dimension_semantics<core_parallel>, #tpu.dimension_semantics<subcore_parallel>], iteration_bounds = array<i64: 2, 16>, scalar_prefetch = 0 : i64, scratch_operands = 4 : i64, tpu.core_type = #tpu.core_type<sc_vector_subcore>, window_params = [{transform_indices = #map}, {transform_indices = #map}, {transform_indices = #map}, {transform_indices = #map}, {transform_indices = #map}]} {
    %mul3A = arith.constant 2 : i32
    %mul3A_0 = arith.muli %arg1, %mul3A : i32
    %add3A = arith.addi %mul3A_0, %arg0 : i32
    %mul3A_1 = arith.constant 2 : i32
    %mul3A_2 = arith.muli %add3A, %mul3A_1 : i32
    %add3A_3 = arith.constant 0 : i32
    %add3A_4 = arith.addi %add3A_3, %mul3A_2 : i32
    "tpu.region"() ({
      %run_scoped3A = tpu.sem_alloc : memref<!tpu.dma_semaphore, #tpu.memory_space<semaphore_mem>>
      %dma_start3A_269 = arith.constant 0 : i32
      %dma_start3A_270 = arith.constant 0 : i32
      %dma_start3A_271 = tpu.memref_slice %arg7[%dma_start3A_269, %dma_start3A_270] : memref<4x128xi32, #tpu.memory_space<vmem>> -> memref<2x128xi32, #tpu.memory_space<vmem>>
      %dma_start3A_272 = arith.constant 0 : i32
      %dma_start3A_273 = tpu.memref_slice %arg2[%add3A_4, %dma_start3A_272] : memref<128x128xi32, #tpu.memory_space<hbm>> -> memref<2x128xi32, #tpu.memory_space<hbm>>
      %dma_start3A_274 = arith.constant 0 : i32
      %dma_start3A_275 = arith.constant 0 : i32
      %dma_start3A_276 = tpu.memref_slice %arg7[%dma_start3A_274, %dma_start3A_275] : memref<4x128xi32, #tpu.memory_space<vmem>> -> memref<2x128xi32, #tpu.memory_space<vmem>>
      %dma_start3A_277 = arith.constant 0 : i32
      %dma_start3A_278 = tpu.memref_slice %arg2[%add3A_4, %dma_start3A_277] : memref<128x128xi32, #tpu.memory_space<hbm>> -> memref<2x128xi32, #tpu.memory_space<hbm>>
      tpu.enqueue_dma source(%dma_start3A_278 : memref<2x128xi32, #tpu.memory_space<hbm>>) target(%dma_start3A_276 : memref<2x128xi32, #tpu.memory_space<vmem>>) target_semaphore(%run_scoped3A : memref<!tpu.dma_semaphore, #tpu.memory_space<semaphore_mem>>)
      %dma_wait3A_279 = arith.constant 0 : i32
      %dma_wait3A_280 = arith.constant 0 : i32
      %dma_wait3A_281 = tpu.memref_slice %arg7[%dma_wait3A_279, %dma_wait3A_280] : memref<4x128xi32, #tpu.memory_space<vmem>> -> memref<2x128xi32, #tpu.memory_space<vmem>>
      %dma_wait3A_282 = arith.constant 0 : i32
      %dma_wait3A_283 = tpu.memref_slice %arg2[%add3A_4, %dma_wait3A_282] : memref<128x128xi32, #tpu.memory_space<hbm>> -> memref<2x128xi32, #tpu.memory_space<hbm>>
      %dma_wait3A_284 = arith.constant 0 : i32
      %dma_wait3A_285 = arith.constant 0 : i32
      %dma_wait3A_286 = tpu.memref_slice %arg7[%dma_wait3A_284, %dma_wait3A_285] : memref<4x128xi32, #tpu.memory_space<vmem>> -> memref<2x128xi32, #tpu.memory_space<vmem>>
      %dma_wait3A_287 = arith.constant 0 : i32
      %dma_wait3A_288 = tpu.memref_slice %arg2[%add3A_4, %dma_wait3A_287] : memref<128x128xi32, #tpu.memory_space<hbm>> -> memref<2x128xi32, #tpu.memory_space<hbm>>
      tpu.wait_dma2 semaphore(%run_scoped3A : memref<!tpu.dma_semaphore, #tpu.memory_space<semaphore_mem>>) src(%dma_wait3A_288 : memref<2x128xi32, #tpu.memory_space<hbm>>) dst(%dma_wait3A_286 : memref<2x128xi32, #tpu.memory_space<vmem>>)
      tpu.yield
    }) : () -> ()
    %add3A_5 = arith.constant 0 : i32
    %add3A_6 = arith.addi %add3A_5, %mul3A_2 : i32
    "tpu.region"() ({
      %run_scoped3A = tpu.sem_alloc : memref<!tpu.dma_semaphore, #tpu.memory_space<semaphore_mem>>
      %dma_start3A_269 = arith.constant 2 : i32
      %dma_start3A_270 = arith.constant 0 : i32
      %dma_start3A_271 = tpu.memref_slice %arg7[%dma_start3A_269, %dma_start3A_270] : memref<4x128xi32, #tpu.memory_space<vmem>> -> memref<2x128xi32, #tpu.memory_space<vmem>>
      %dma_start3A_272 = arith.constant 0 : i32
      %dma_start3A_273 = tpu.memref_slice %arg3[%add3A_6, %dma_start3A_272] : memref<128x128xi32, #tpu.memory_space<hbm>> -> memref<2x128xi32, #tpu.memory_space<hbm>>
      %dma_start3A_274 = arith.constant 2 : i32
      %dma_start3A_275 = arith.constant 0 : i32
      %dma_start3A_276 = tpu.memref_slice %arg7[%dma_start3A_274, %dma_start3A_275] : memref<4x128xi32, #tpu.memory_space<vmem>> -> memref<2x128xi32, #tpu.memory_space<vmem>>
      %dma_start3A_277 = arith.constant 0 : i32
      %dma_start3A_278 = tpu.memref_slice %arg3[%add3A_6, %dma_start3A_277] : memref<128x128xi32, #tpu.memory_space<hbm>> -> memref<2x128xi32, #tpu.memory_space<hbm>>
      tpu.enqueue_dma source(%dma_start3A_278 : memref<2x128xi32, #tpu.memory_space<hbm>>) target(%dma_start3A_276 : memref<2x128xi32, #tpu.memory_space<vmem>>) target_semaphore(%run_scoped3A : memref<!tpu.dma_semaphore, #tpu.memory_space<semaphore_mem>>)
      %dma_wait3A_279 = arith.constant 2 : i32
      %dma_wait3A_280 = arith.constant 0 : i32
      %dma_wait3A_281 = tpu.memref_slice %arg7[%dma_wait3A_279, %dma_wait3A_280] : memref<4x128xi32, #tpu.memory_space<vmem>> -> memref<2x128xi32, #tpu.memory_space<vmem>>
      %dma_wait3A_282 = arith.constant 0 : i32
      %dma_wait3A_283 = tpu.memref_slice %arg3[%add3A_6, %dma_wait3A_282] : memref<128x128xi32, #tpu.memory_space<hbm>> -> memref<2x128xi32, #tpu.memory_space<hbm>>
      %dma_wait3A_284 = arith.constant 2 : i32
      %dma_wait3A_285 = arith.constant 0 : i32
      %dma_wait3A_286 = tpu.memref_slice %arg7[%dma_wait3A_284, %dma_wait3A_285] : memref<4x128xi32, #tpu.memory_space<vmem>> -> memref<2x128xi32, #tpu.memory_space<vmem>>
      %dma_wait3A_287 = arith.constant 0 : i32
      %dma_wait3A_288 = tpu.memref_slice %arg3[%add3A_6, %dma_wait3A_287] : memref<128x128xi32, #tpu.memory_space<hbm>> -> memref<2x128xi32, #tpu.memory_space<hbm>>
      tpu.wait_dma2 semaphore(%run_scoped3A : memref<!tpu.dma_semaphore, #tpu.memory_space<semaphore_mem>>) src(%dma_wait3A_288 : memref<2x128xi32, #tpu.memory_space<hbm>>) dst(%dma_wait3A_286 : memref<2x128xi32, #tpu.memory_space<vmem>>)
      tpu.yield
    }) : () -> ()
    %dma_start3A = arith.constant 0 : i32
    %dma_start3A_7 = arith.constant 0 : i32
    %dma_start3A_8 = arith.constant 0 : i32
    %dma_start3A_9 = arith.constant 0 : i32
    %dma_start3A_10 = arith.constant 0 : i32
    %dma_start3A_11 = tpu.memref_slice %arg8[%dma_start3A_7, %dma_start3A_9, %dma_start3A_10] : memref<4x128x128xf32, #tpu.memory_space<vmem>> -> memref<1x128x128xf32, #tpu.memory_space<vmem>>
    %dma_start3A_12 = tpu.memref_squeeze %dma_start3A_11 : memref<1x128x128xf32, #tpu.memory_space<vmem>> -> memref<128x128xf32, #tpu.memory_space<vmem>>
    %dma_start3A_13 = arith.constant 0 : i32
    %dma_start3A_14 = tpu.memref_slice %arg7[%dma_start3A, %dma_start3A_13] : memref<4x128xi32, #tpu.memory_space<vmem>> -> memref<1x128xi32, #tpu.memory_space<vmem>>
    %dma_start3A_15 = tpu.memref_squeeze %dma_start3A_14 : memref<1x128xi32, #tpu.memory_space<vmem>> -> memref<128xi32, #tpu.memory_space<vmem>>
    %dma_start3A_16 = arith.constant 0 : i32
    %dma_start3A_17 = arith.constant 0 : i32
    %dma_start3A_18 = tpu.memref_slice %arg4[%dma_start3A_16, %dma_start3A_17] : memref<100000x128xf32, #tpu.memory_space<hbm>> -> memref<100000x128xf32, #tpu.memory_space<hbm>>
    %dma_start3A_19 = tpu.memref_slice %arg9[%dma_start3A_8] : memref<4x!tpu.dma_semaphore, #tpu.memory_space<semaphore_mem>> -> memref<1x!tpu.dma_semaphore, #tpu.memory_space<semaphore_mem>>
    %dma_start3A_20 = tpu.memref_squeeze %dma_start3A_19 : memref<1x!tpu.dma_semaphore, #tpu.memory_space<semaphore_mem>> -> memref<!tpu.dma_semaphore, #tpu.memory_space<semaphore_mem>>
    tpu.enqueue_indirect_dma source(%dma_start3A_18 : memref<100000x128xf32, #tpu.memory_space<hbm>>) target(%dma_start3A_12 : memref<128x128xf32, #tpu.memory_space<vmem>>) offsets(%dma_start3A_15 : memref<128xi32, #tpu.memory_space<vmem>>) semaphore(%dma_start3A_20 : memref<!tpu.dma_semaphore, #tpu.memory_space<semaphore_mem>>)
    %dma_start3A_21 = arith.constant 1 : i32
    %dma_start3A_22 = arith.constant 1 : i32
    %dma_start3A_23 = arith.constant 1 : i32
    %dma_start3A_24 = arith.constant 0 : i32
    %dma_start3A_25 = arith.constant 0 : i32
    %dma_start3A_26 = tpu.memref_slice %arg8[%dma_start3A_22, %dma_start3A_24, %dma_start3A_25] : memref<4x128x128xf32, #tpu.memory_space<vmem>> -> memref<1x128x128xf32, #tpu.memory_space<vmem>>
    %dma_start3A_27 = tpu.memref_squeeze %dma_start3A_26 : memref<1x128x128xf32, #tpu.memory_space<vmem>> -> memref<128x128xf32, #tpu.memory_space<vmem>>
    %dma_start3A_28 = arith.constant 0 : i32
    %dma_start3A_29 = tpu.memref_slice %arg7[%dma_start3A_21, %dma_start3A_28] : memref<4x128xi32, #tpu.memory_space<vmem>> -> memref<1x128xi32, #tpu.memory_space<vmem>>
    %dma_start3A_30 = tpu.memref_squeeze %dma_start3A_29 : memref<1x128xi32, #tpu.memory_space<vmem>> -> memref<128xi32, #tpu.memory_space<vmem>>
    %dma_start3A_31 = arith.constant 0 : i32
    %dma_start3A_32 = arith.constant 0 : i32
    %dma_start3A_33 = tpu.memref_slice %arg4[%dma_start3A_31, %dma_start3A_32] : memref<100000x128xf32, #tpu.memory_space<hbm>> -> memref<100000x128xf32, #tpu.memory_space<hbm>>
    %dma_start3A_34 = tpu.memref_slice %arg9[%dma_start3A_23] : memref<4x!tpu.dma_semaphore, #tpu.memory_space<semaphore_mem>> -> memref<1x!tpu.dma_semaphore, #tpu.memory_space<semaphore_mem>>
    %dma_start3A_35 = tpu.memref_squeeze %dma_start3A_34 : memref<1x!tpu.dma_semaphore, #tpu.memory_space<semaphore_mem>> -> memref<!tpu.dma_semaphore, #tpu.memory_space<semaphore_mem>>
    tpu.enqueue_indirect_dma source(%dma_start3A_33 : memref<100000x128xf32, #tpu.memory_space<hbm>>) target(%dma_start3A_27 : memref<128x128xf32, #tpu.memory_space<vmem>>) offsets(%dma_start3A_30 : memref<128xi32, #tpu.memory_space<vmem>>) semaphore(%dma_start3A_35 : memref<!tpu.dma_semaphore, #tpu.memory_space<semaphore_mem>>)
    %dma_wait3A = arith.constant 0 : i32
    %dma_wait3A_36 = arith.constant 0 : i32
    %dma_wait3A_37 = arith.constant 0 : i32
    %dma_wait3A_38 = arith.constant 0 : i32
    %dma_wait3A_39 = arith.constant 0 : i32
    %dma_wait3A_40 = tpu.memref_slice %arg8[%dma_wait3A_36, %dma_wait3A_38, %dma_wait3A_39] : memref<4x128x128xf32, #tpu.memory_space<vmem>> -> memref<1x128x128xf32, #tpu.memory_space<vmem>>
    %dma_wait3A_41 = tpu.memref_squeeze %dma_wait3A_40 : memref<1x128x128xf32, #tpu.memory_space<vmem>> -> memref<128x128xf32, #tpu.memory_space<vmem>>
    %dma_wait3A_42 = arith.constant 0 : i32
    %dma_wait3A_43 = tpu.memref_slice %arg7[%dma_wait3A, %dma_wait3A_42] : memref<4x128xi32, #tpu.memory_space<vmem>> -> memref<1x128xi32, #tpu.memory_space<vmem>>
    %dma_wait3A_44 = tpu.memref_squeeze %dma_wait3A_43 : memref<1x128xi32, #tpu.memory_space<vmem>> -> memref<128xi32, #tpu.memory_space<vmem>>
    %dma_wait3A_45 = arith.constant 0 : i32
    %dma_wait3A_46 = arith.constant 0 : i32
    %dma_wait3A_47 = tpu.memref_slice %arg4[%dma_wait3A_45, %dma_wait3A_46] : memref<100000x128xf32, #tpu.memory_space<hbm>> -> memref<100000x128xf32, #tpu.memory_space<hbm>>
    %dma_wait3A_48 = tpu.memref_slice %arg9[%dma_wait3A_37] : memref<4x!tpu.dma_semaphore, #tpu.memory_space<semaphore_mem>> -> memref<1x!tpu.dma_semaphore, #tpu.memory_space<semaphore_mem>>
    %dma_wait3A_49 = tpu.memref_squeeze %dma_wait3A_48 : memref<1x!tpu.dma_semaphore, #tpu.memory_space<semaphore_mem>> -> memref<!tpu.dma_semaphore, #tpu.memory_space<semaphore_mem>>
    tpu.wait_indirect_dma semaphore(%dma_wait3A_49 : memref<!tpu.dma_semaphore, #tpu.memory_space<semaphore_mem>>) src(%dma_wait3A_47 : memref<100000x128xf32, #tpu.memory_space<hbm>>) dst(%dma_wait3A_41 : memref<128x128xf32, #tpu.memory_space<vmem>>)
    %add3A_50 = arith.constant 0 : i32
    %add3A_51 = arith.addi %mul3A_2, %add3A_50 : i32
    %mul3A_52 = arith.constant 128 : i32
    %mul3A_53 = arith.muli %add3A_51, %mul3A_52 : i32
    %dma_start3A_54 = arith.constant 0 : i32
    %dma_start3A_55 = arith.constant 0 : i32
    %dma_start3A_56 = arith.constant 0 : i32
    %dma_start3A_57 = arith.constant 0 : i32
    %dma_start3A_58 = tpu.memref_slice %arg8[%dma_start3A_54, %dma_start3A_56, %dma_start3A_57] : memref<4x128x128xf32, #tpu.memory_space<vmem>> -> memref<1x128x128xf32, #tpu.memory_space<vmem>>
    %dma_start3A_59 = tpu.memref_squeeze %dma_start3A_58 : memref<1x128x128xf32, #tpu.memory_space<vmem>> -> memref<128x128xf32, #tpu.memory_space<vmem>>
    %dma_start3A_60 = arith.constant 0 : i32
    %dma_start3A_61 = tpu.memref_slice %arg6[%mul3A_53, %dma_start3A_60] : memref<8192x256xf32, #tpu.memory_space<hbm>> -> memref<128x128xf32, #tpu.memory_space<hbm>>
    %dma_start3A_62 = tpu.memref_slice %arg10[%dma_start3A_55] : memref<4x!tpu.dma_semaphore, #tpu.memory_space<semaphore_mem>> -> memref<1x!tpu.dma_semaphore, #tpu.memory_space<semaphore_mem>>
    %dma_start3A_63 = tpu.memref_squeeze %dma_start3A_62 : memref<1x!tpu.dma_semaphore, #tpu.memory_space<semaphore_mem>> -> memref<!tpu.dma_semaphore, #tpu.memory_space<semaphore_mem>>
    %dma_start3A_64 = arith.constant 0 : i32
    %dma_start3A_65 = tpu.memref_slice %arg6[%mul3A_53, %dma_start3A_64] : memref<8192x256xf32, #tpu.memory_space<hbm>> -> memref<128x128xf32, #tpu.memory_space<hbm>>
    %dma_start3A_66 = arith.constant 0 : i32
    %dma_start3A_67 = arith.constant 0 : i32
    %dma_start3A_68 = tpu.memref_slice %arg8[%dma_start3A_54, %dma_start3A_66, %dma_start3A_67] : memref<4x128x128xf32, #tpu.memory_space<vmem>> -> memref<1x128x128xf32, #tpu.memory_space<vmem>>
    %dma_start3A_69 = tpu.memref_squeeze %dma_start3A_68 : memref<1x128x128xf32, #tpu.memory_space<vmem>> -> memref<128x128xf32, #tpu.memory_space<vmem>>
    tpu.enqueue_dma source(%dma_start3A_69 : memref<128x128xf32, #tpu.memory_space<vmem>>) target(%dma_start3A_65 : memref<128x128xf32, #tpu.memory_space<hbm>>) target_semaphore(%dma_start3A_63 : memref<!tpu.dma_semaphore, #tpu.memory_space<semaphore_mem>>)
    %dma_start3A_70 = arith.constant 2 : i32
    %dma_start3A_71 = arith.constant 2 : i32
    %dma_start3A_72 = arith.constant 2 : i32
    %dma_start3A_73 = arith.constant 0 : i32
    %dma_start3A_74 = arith.constant 0 : i32
    %dma_start3A_75 = tpu.memref_slice %arg8[%dma_start3A_71, %dma_start3A_73, %dma_start3A_74] : memref<4x128x128xf32, #tpu.memory_space<vmem>> -> memref<1x128x128xf32, #tpu.memory_space<vmem>>
    %dma_start3A_76 = tpu.memref_squeeze %dma_start3A_75 : memref<1x128x128xf32, #tpu.memory_space<vmem>> -> memref<128x128xf32, #tpu.memory_space<vmem>>
    %dma_start3A_77 = arith.constant 0 : i32
    %dma_start3A_78 = tpu.memref_slice %arg7[%dma_start3A_70, %dma_start3A_77] : memref<4x128xi32, #tpu.memory_space<vmem>> -> memref<1x128xi32, #tpu.memory_space<vmem>>
    %dma_start3A_79 = tpu.memref_squeeze %dma_start3A_78 : memref<1x128xi32, #tpu.memory_space<vmem>> -> memref<128xi32, #tpu.memory_space<vmem>>
    %dma_start3A_80 = arith.constant 0 : i32
    %dma_start3A_81 = arith.constant 0 : i32
    %dma_start3A_82 = tpu.memref_slice %arg5[%dma_start3A_80, %dma_start3A_81] : memref<100000x128xf32, #tpu.memory_space<hbm>> -> memref<100000x128xf32, #tpu.memory_space<hbm>>
    %dma_start3A_83 = tpu.memref_slice %arg9[%dma_start3A_72] : memref<4x!tpu.dma_semaphore, #tpu.memory_space<semaphore_mem>> -> memref<1x!tpu.dma_semaphore, #tpu.memory_space<semaphore_mem>>
    %dma_start3A_84 = tpu.memref_squeeze %dma_start3A_83 : memref<1x!tpu.dma_semaphore, #tpu.memory_space<semaphore_mem>> -> memref<!tpu.dma_semaphore, #tpu.memory_space<semaphore_mem>>
    tpu.enqueue_indirect_dma source(%dma_start3A_82 : memref<100000x128xf32, #tpu.memory_space<hbm>>) target(%dma_start3A_76 : memref<128x128xf32, #tpu.memory_space<vmem>>) offsets(%dma_start3A_79 : memref<128xi32, #tpu.memory_space<vmem>>) semaphore(%dma_start3A_84 : memref<!tpu.dma_semaphore, #tpu.memory_space<semaphore_mem>>)
    %dma_wait3A_85 = arith.constant 1 : i32
    %dma_wait3A_86 = arith.constant 1 : i32
    %dma_wait3A_87 = arith.constant 1 : i32
    %dma_wait3A_88 = arith.constant 0 : i32
    %dma_wait3A_89 = arith.constant 0 : i32
    %dma_wait3A_90 = tpu.memref_slice %arg8[%dma_wait3A_86, %dma_wait3A_88, %dma_wait3A_89] : memref<4x128x128xf32, #tpu.memory_space<vmem>> -> memref<1x128x128xf32, #tpu.memory_space<vmem>>
    %dma_wait3A_91 = tpu.memref_squeeze %dma_wait3A_90 : memref<1x128x128xf32, #tpu.memory_space<vmem>> -> memref<128x128xf32, #tpu.memory_space<vmem>>
    %dma_wait3A_92 = arith.constant 0 : i32
    %dma_wait3A_93 = tpu.memref_slice %arg7[%dma_wait3A_85, %dma_wait3A_92] : memref<4x128xi32, #tpu.memory_space<vmem>> -> memref<1x128xi32, #tpu.memory_space<vmem>>
    %dma_wait3A_94 = tpu.memref_squeeze %dma_wait3A_93 : memref<1x128xi32, #tpu.memory_space<vmem>> -> memref<128xi32, #tpu.memory_space<vmem>>
    %dma_wait3A_95 = arith.constant 0 : i32
    %dma_wait3A_96 = arith.constant 0 : i32
    %dma_wait3A_97 = tpu.memref_slice %arg4[%dma_wait3A_95, %dma_wait3A_96] : memref<100000x128xf32, #tpu.memory_space<hbm>> -> memref<100000x128xf32, #tpu.memory_space<hbm>>
    %dma_wait3A_98 = tpu.memref_slice %arg9[%dma_wait3A_87] : memref<4x!tpu.dma_semaphore, #tpu.memory_space<semaphore_mem>> -> memref<1x!tpu.dma_semaphore, #tpu.memory_space<semaphore_mem>>
    %dma_wait3A_99 = tpu.memref_squeeze %dma_wait3A_98 : memref<1x!tpu.dma_semaphore, #tpu.memory_space<semaphore_mem>> -> memref<!tpu.dma_semaphore, #tpu.memory_space<semaphore_mem>>
    tpu.wait_indirect_dma semaphore(%dma_wait3A_99 : memref<!tpu.dma_semaphore, #tpu.memory_space<semaphore_mem>>) src(%dma_wait3A_97 : memref<100000x128xf32, #tpu.memory_space<hbm>>) dst(%dma_wait3A_91 : memref<128x128xf32, #tpu.memory_space<vmem>>)
    %add3A_100 = arith.constant 1 : i32
    %add3A_101 = arith.addi %mul3A_2, %add3A_100 : i32
    %mul3A_102 = arith.constant 128 : i32
    %mul3A_103 = arith.muli %add3A_101, %mul3A_102 : i32
    %dma_start3A_104 = arith.constant 1 : i32
    %dma_start3A_105 = arith.constant 1 : i32
    %dma_start3A_106 = arith.constant 0 : i32
    %dma_start3A_107 = arith.constant 0 : i32
    %dma_start3A_108 = tpu.memref_slice %arg8[%dma_start3A_104, %dma_start3A_106, %dma_start3A_107] : memref<4x128x128xf32, #tpu.memory_space<vmem>> -> memref<1x128x128xf32, #tpu.memory_space<vmem>>
    %dma_start3A_109 = tpu.memref_squeeze %dma_start3A_108 : memref<1x128x128xf32, #tpu.memory_space<vmem>> -> memref<128x128xf32, #tpu.memory_space<vmem>>
    %dma_start3A_110 = arith.constant 0 : i32
    %dma_start3A_111 = tpu.memref_slice %arg6[%mul3A_103, %dma_start3A_110] : memref<8192x256xf32, #tpu.memory_space<hbm>> -> memref<128x128xf32, #tpu.memory_space<hbm>>
    %dma_start3A_112 = tpu.memref_slice %arg10[%dma_start3A_105] : memref<4x!tpu.dma_semaphore, #tpu.memory_space<semaphore_mem>> -> memref<1x!tpu.dma_semaphore, #tpu.memory_space<semaphore_mem>>
    %dma_start3A_113 = tpu.memref_squeeze %dma_start3A_112 : memref<1x!tpu.dma_semaphore, #tpu.memory_space<semaphore_mem>> -> memref<!tpu.dma_semaphore, #tpu.memory_space<semaphore_mem>>
    %dma_start3A_114 = arith.constant 0 : i32
    %dma_start3A_115 = tpu.memref_slice %arg6[%mul3A_103, %dma_start3A_114] : memref<8192x256xf32, #tpu.memory_space<hbm>> -> memref<128x128xf32, #tpu.memory_space<hbm>>
    %dma_start3A_116 = arith.constant 0 : i32
    %dma_start3A_117 = arith.constant 0 : i32
    %dma_start3A_118 = tpu.memref_slice %arg8[%dma_start3A_104, %dma_start3A_116, %dma_start3A_117] : memref<4x128x128xf32, #tpu.memory_space<vmem>> -> memref<1x128x128xf32, #tpu.memory_space<vmem>>
    %dma_start3A_119 = tpu.memref_squeeze %dma_start3A_118 : memref<1x128x128xf32, #tpu.memory_space<vmem>> -> memref<128x128xf32, #tpu.memory_space<vmem>>
    tpu.enqueue_dma source(%dma_start3A_119 : memref<128x128xf32, #tpu.memory_space<vmem>>) target(%dma_start3A_115 : memref<128x128xf32, #tpu.memory_space<hbm>>) target_semaphore(%dma_start3A_113 : memref<!tpu.dma_semaphore, #tpu.memory_space<semaphore_mem>>)
    %dma_start3A_120 = arith.constant 3 : i32
    %dma_start3A_121 = arith.constant 3 : i32
    %dma_start3A_122 = arith.constant 3 : i32
    %dma_start3A_123 = arith.constant 0 : i32
    %dma_start3A_124 = arith.constant 0 : i32
    %dma_start3A_125 = tpu.memref_slice %arg8[%dma_start3A_121, %dma_start3A_123, %dma_start3A_124] : memref<4x128x128xf32, #tpu.memory_space<vmem>> -> memref<1x128x128xf32, #tpu.memory_space<vmem>>
    %dma_start3A_126 = tpu.memref_squeeze %dma_start3A_125 : memref<1x128x128xf32, #tpu.memory_space<vmem>> -> memref<128x128xf32, #tpu.memory_space<vmem>>
    %dma_start3A_127 = arith.constant 0 : i32
    %dma_start3A_128 = tpu.memref_slice %arg7[%dma_start3A_120, %dma_start3A_127] : memref<4x128xi32, #tpu.memory_space<vmem>> -> memref<1x128xi32, #tpu.memory_space<vmem>>
    %dma_start3A_129 = tpu.memref_squeeze %dma_start3A_128 : memref<1x128xi32, #tpu.memory_space<vmem>> -> memref<128xi32, #tpu.memory_space<vmem>>
    %dma_start3A_130 = arith.constant 0 : i32
    %dma_start3A_131 = arith.constant 0 : i32
    %dma_start3A_132 = tpu.memref_slice %arg5[%dma_start3A_130, %dma_start3A_131] : memref<100000x128xf32, #tpu.memory_space<hbm>> -> memref<100000x128xf32, #tpu.memory_space<hbm>>
    %dma_start3A_133 = tpu.memref_slice %arg9[%dma_start3A_122] : memref<4x!tpu.dma_semaphore, #tpu.memory_space<semaphore_mem>> -> memref<1x!tpu.dma_semaphore, #tpu.memory_space<semaphore_mem>>
    %dma_start3A_134 = tpu.memref_squeeze %dma_start3A_133 : memref<1x!tpu.dma_semaphore, #tpu.memory_space<semaphore_mem>> -> memref<!tpu.dma_semaphore, #tpu.memory_space<semaphore_mem>>
    tpu.enqueue_indirect_dma source(%dma_start3A_132 : memref<100000x128xf32, #tpu.memory_space<hbm>>) target(%dma_start3A_126 : memref<128x128xf32, #tpu.memory_space<vmem>>) offsets(%dma_start3A_129 : memref<128xi32, #tpu.memory_space<vmem>>) semaphore(%dma_start3A_134 : memref<!tpu.dma_semaphore, #tpu.memory_space<semaphore_mem>>)
    %dma_wait3A_135 = arith.constant 2 : i32
    %dma_wait3A_136 = arith.constant 2 : i32
    %dma_wait3A_137 = arith.constant 2 : i32
    %dma_wait3A_138 = arith.constant 0 : i32
    %dma_wait3A_139 = arith.constant 0 : i32
    %dma_wait3A_140 = tpu.memref_slice %arg8[%dma_wait3A_136, %dma_wait3A_138, %dma_wait3A_139] : memref<4x128x128xf32, #tpu.memory_space<vmem>> -> memref<1x128x128xf32, #tpu.memory_space<vmem>>
    %dma_wait3A_141 = tpu.memref_squeeze %dma_wait3A_140 : memref<1x128x128xf32, #tpu.memory_space<vmem>> -> memref<128x128xf32, #tpu.memory_space<vmem>>
    %dma_wait3A_142 = arith.constant 0 : i32
    %dma_wait3A_143 = tpu.memref_slice %arg7[%dma_wait3A_135, %dma_wait3A_142] : memref<4x128xi32, #tpu.memory_space<vmem>> -> memref<1x128xi32, #tpu.memory_space<vmem>>
    %dma_wait3A_144 = tpu.memref_squeeze %dma_wait3A_143 : memref<1x128xi32, #tpu.memory_space<vmem>> -> memref<128xi32, #tpu.memory_space<vmem>>
    %dma_wait3A_145 = arith.constant 0 : i32
    %dma_wait3A_146 = arith.constant 0 : i32
    %dma_wait3A_147 = tpu.memref_slice %arg5[%dma_wait3A_145, %dma_wait3A_146] : memref<100000x128xf32, #tpu.memory_space<hbm>> -> memref<100000x128xf32, #tpu.memory_space<hbm>>
    %dma_wait3A_148 = tpu.memref_slice %arg9[%dma_wait3A_137] : memref<4x!tpu.dma_semaphore, #tpu.memory_space<semaphore_mem>> -> memref<1x!tpu.dma_semaphore, #tpu.memory_space<semaphore_mem>>
    %dma_wait3A_149 = tpu.memref_squeeze %dma_wait3A_148 : memref<1x!tpu.dma_semaphore, #tpu.memory_space<semaphore_mem>> -> memref<!tpu.dma_semaphore, #tpu.memory_space<semaphore_mem>>
    tpu.wait_indirect_dma semaphore(%dma_wait3A_149 : memref<!tpu.dma_semaphore, #tpu.memory_space<semaphore_mem>>) src(%dma_wait3A_147 : memref<100000x128xf32, #tpu.memory_space<hbm>>) dst(%dma_wait3A_141 : memref<128x128xf32, #tpu.memory_space<vmem>>)
    %add3A_150 = arith.constant 0 : i32
    %add3A_151 = arith.addi %mul3A_2, %add3A_150 : i32
    %mul3A_152 = arith.constant 128 : i32
    %mul3A_153 = arith.muli %add3A_151, %mul3A_152 : i32
    %dma_start3A_154 = arith.constant 2 : i32
    %dma_start3A_155 = arith.constant 2 : i32
    %dma_start3A_156 = arith.constant 0 : i32
    %dma_start3A_157 = arith.constant 0 : i32
    %dma_start3A_158 = tpu.memref_slice %arg8[%dma_start3A_154, %dma_start3A_156, %dma_start3A_157] : memref<4x128x128xf32, #tpu.memory_space<vmem>> -> memref<1x128x128xf32, #tpu.memory_space<vmem>>
    %dma_start3A_159 = tpu.memref_squeeze %dma_start3A_158 : memref<1x128x128xf32, #tpu.memory_space<vmem>> -> memref<128x128xf32, #tpu.memory_space<vmem>>
    %dma_start3A_160 = arith.constant 128 : i32
    %dma_start3A_161 = tpu.memref_slice %arg6[%mul3A_153, %dma_start3A_160] : memref<8192x256xf32, #tpu.memory_space<hbm>> -> memref<128x128xf32, #tpu.memory_space<hbm>>
    %dma_start3A_162 = tpu.memref_slice %arg10[%dma_start3A_155] : memref<4x!tpu.dma_semaphore, #tpu.memory_space<semaphore_mem>> -> memref<1x!tpu.dma_semaphore, #tpu.memory_space<semaphore_mem>>
    %dma_start3A_163 = tpu.memref_squeeze %dma_start3A_162 : memref<1x!tpu.dma_semaphore, #tpu.memory_space<semaphore_mem>> -> memref<!tpu.dma_semaphore, #tpu.memory_space<semaphore_mem>>
    %dma_start3A_164 = arith.constant 128 : i32
    %dma_start3A_165 = tpu.memref_slice %arg6[%mul3A_153, %dma_start3A_164] : memref<8192x256xf32, #tpu.memory_space<hbm>> -> memref<128x128xf32, #tpu.memory_space<hbm>>
    %dma_start3A_166 = arith.constant 0 : i32
    %dma_start3A_167 = arith.constant 0 : i32
    %dma_start3A_168 = tpu.memref_slice %arg8[%dma_start3A_154, %dma_start3A_166, %dma_start3A_167] : memref<4x128x128xf32, #tpu.memory_space<vmem>> -> memref<1x128x128xf32, #tpu.memory_space<vmem>>
    %dma_start3A_169 = tpu.memref_squeeze %dma_start3A_168 : memref<1x128x128xf32, #tpu.memory_space<vmem>> -> memref<128x128xf32, #tpu.memory_space<vmem>>
    tpu.enqueue_dma source(%dma_start3A_169 : memref<128x128xf32, #tpu.memory_space<vmem>>) target(%dma_start3A_165 : memref<128x128xf32, #tpu.memory_space<hbm>>) target_semaphore(%dma_start3A_163 : memref<!tpu.dma_semaphore, #tpu.memory_space<semaphore_mem>>)
    %dma_wait3A_170 = arith.constant 3 : i32
    %dma_wait3A_171 = arith.constant 3 : i32
    %dma_wait3A_172 = arith.constant 3 : i32
    %dma_wait3A_173 = arith.constant 0 : i32
    %dma_wait3A_174 = arith.constant 0 : i32
    %dma_wait3A_175 = tpu.memref_slice %arg8[%dma_wait3A_171, %dma_wait3A_173, %dma_wait3A_174] : memref<4x128x128xf32, #tpu.memory_space<vmem>> -> memref<1x128x128xf32, #tpu.memory_space<vmem>>
    %dma_wait3A_176 = tpu.memref_squeeze %dma_wait3A_175 : memref<1x128x128xf32, #tpu.memory_space<vmem>> -> memref<128x128xf32, #tpu.memory_space<vmem>>
    %dma_wait3A_177 = arith.constant 0 : i32
    %dma_wait3A_178 = tpu.memref_slice %arg7[%dma_wait3A_170, %dma_wait3A_177] : memref<4x128xi32, #tpu.memory_space<vmem>> -> memref<1x128xi32, #tpu.memory_space<vmem>>
    %dma_wait3A_179 = tpu.memref_squeeze %dma_wait3A_178 : memref<1x128xi32, #tpu.memory_space<vmem>> -> memref<128xi32, #tpu.memory_space<vmem>>
    %dma_wait3A_180 = arith.constant 0 : i32
    %dma_wait3A_181 = arith.constant 0 : i32
    %dma_wait3A_182 = tpu.memref_slice %arg5[%dma_wait3A_180, %dma_wait3A_181] : memref<100000x128xf32, #tpu.memory_space<hbm>> -> memref<100000x128xf32, #tpu.memory_space<hbm>>
    %dma_wait3A_183 = tpu.memref_slice %arg9[%dma_wait3A_172] : memref<4x!tpu.dma_semaphore, #tpu.memory_space<semaphore_mem>> -> memref<1x!tpu.dma_semaphore, #tpu.memory_space<semaphore_mem>>
    %dma_wait3A_184 = tpu.memref_squeeze %dma_wait3A_183 : memref<1x!tpu.dma_semaphore, #tpu.memory_space<semaphore_mem>> -> memref<!tpu.dma_semaphore, #tpu.memory_space<semaphore_mem>>
    tpu.wait_indirect_dma semaphore(%dma_wait3A_184 : memref<!tpu.dma_semaphore, #tpu.memory_space<semaphore_mem>>) src(%dma_wait3A_182 : memref<100000x128xf32, #tpu.memory_space<hbm>>) dst(%dma_wait3A_176 : memref<128x128xf32, #tpu.memory_space<vmem>>)
    %add3A_185 = arith.constant 1 : i32
    %add3A_186 = arith.addi %mul3A_2, %add3A_185 : i32
    %mul3A_187 = arith.constant 128 : i32
    %mul3A_188 = arith.muli %add3A_186, %mul3A_187 : i32
    %dma_start3A_189 = arith.constant 3 : i32
    %dma_start3A_190 = arith.constant 3 : i32
    %dma_start3A_191 = arith.constant 0 : i32
    %dma_start3A_192 = arith.constant 0 : i32
    %dma_start3A_193 = tpu.memref_slice %arg8[%dma_start3A_189, %dma_start3A_191, %dma_start3A_192] : memref<4x128x128xf32, #tpu.memory_space<vmem>> -> memref<1x128x128xf32, #tpu.memory_space<vmem>>
    %dma_start3A_194 = tpu.memref_squeeze %dma_start3A_193 : memref<1x128x128xf32, #tpu.memory_space<vmem>> -> memref<128x128xf32, #tpu.memory_space<vmem>>
    %dma_start3A_195 = arith.constant 128 : i32
    %dma_start3A_196 = tpu.memref_slice %arg6[%mul3A_188, %dma_start3A_195] : memref<8192x256xf32, #tpu.memory_space<hbm>> -> memref<128x128xf32, #tpu.memory_space<hbm>>
    %dma_start3A_197 = tpu.memref_slice %arg10[%dma_start3A_190] : memref<4x!tpu.dma_semaphore, #tpu.memory_space<semaphore_mem>> -> memref<1x!tpu.dma_semaphore, #tpu.memory_space<semaphore_mem>>
    %dma_start3A_198 = tpu.memref_squeeze %dma_start3A_197 : memref<1x!tpu.dma_semaphore, #tpu.memory_space<semaphore_mem>> -> memref<!tpu.dma_semaphore, #tpu.memory_space<semaphore_mem>>
    %dma_start3A_199 = arith.constant 128 : i32
    %dma_start3A_200 = tpu.memref_slice %arg6[%mul3A_188, %dma_start3A_199] : memref<8192x256xf32, #tpu.memory_space<hbm>> -> memref<128x128xf32, #tpu.memory_space<hbm>>
    %dma_start3A_201 = arith.constant 0 : i32
    %dma_start3A_202 = arith.constant 0 : i32
    %dma_start3A_203 = tpu.memref_slice %arg8[%dma_start3A_189, %dma_start3A_201, %dma_start3A_202] : memref<4x128x128xf32, #tpu.memory_space<vmem>> -> memref<1x128x128xf32, #tpu.memory_space<vmem>>
    %dma_start3A_204 = tpu.memref_squeeze %dma_start3A_203 : memref<1x128x128xf32, #tpu.memory_space<vmem>> -> memref<128x128xf32, #tpu.memory_space<vmem>>
    tpu.enqueue_dma source(%dma_start3A_204 : memref<128x128xf32, #tpu.memory_space<vmem>>) target(%dma_start3A_200 : memref<128x128xf32, #tpu.memory_space<hbm>>) target_semaphore(%dma_start3A_198 : memref<!tpu.dma_semaphore, #tpu.memory_space<semaphore_mem>>)
    %dma_wait3A_205 = arith.constant 0 : i32
    %dma_wait3A_206 = arith.constant 0 : i32
    %dma_wait3A_207 = arith.constant 0 : i32
    %dma_wait3A_208 = arith.constant 0 : i32
    %dma_wait3A_209 = tpu.memref_slice %arg8[%dma_wait3A_205, %dma_wait3A_207, %dma_wait3A_208] : memref<4x128x128xf32, #tpu.memory_space<vmem>> -> memref<1x128x128xf32, #tpu.memory_space<vmem>>
    %dma_wait3A_210 = tpu.memref_squeeze %dma_wait3A_209 : memref<1x128x128xf32, #tpu.memory_space<vmem>> -> memref<128x128xf32, #tpu.memory_space<vmem>>
    %dma_wait3A_211 = arith.constant 0 : i32
    %dma_wait3A_212 = tpu.memref_slice %arg6[%mul3A_53, %dma_wait3A_211] : memref<8192x256xf32, #tpu.memory_space<hbm>> -> memref<128x128xf32, #tpu.memory_space<hbm>>
    %dma_wait3A_213 = tpu.memref_slice %arg10[%dma_wait3A_206] : memref<4x!tpu.dma_semaphore, #tpu.memory_space<semaphore_mem>> -> memref<1x!tpu.dma_semaphore, #tpu.memory_space<semaphore_mem>>
    %dma_wait3A_214 = tpu.memref_squeeze %dma_wait3A_213 : memref<1x!tpu.dma_semaphore, #tpu.memory_space<semaphore_mem>> -> memref<!tpu.dma_semaphore, #tpu.memory_space<semaphore_mem>>
    %dma_wait3A_215 = arith.constant 0 : i32
    %dma_wait3A_216 = tpu.memref_slice %arg6[%mul3A_53, %dma_wait3A_215] : memref<8192x256xf32, #tpu.memory_space<hbm>> -> memref<128x128xf32, #tpu.memory_space<hbm>>
    %dma_wait3A_217 = arith.constant 0 : i32
    %dma_wait3A_218 = arith.constant 0 : i32
    %dma_wait3A_219 = tpu.memref_slice %arg8[%dma_wait3A_205, %dma_wait3A_217, %dma_wait3A_218] : memref<4x128x128xf32, #tpu.memory_space<vmem>> -> memref<1x128x128xf32, #tpu.memory_space<vmem>>
    %dma_wait3A_220 = tpu.memref_squeeze %dma_wait3A_219 : memref<1x128x128xf32, #tpu.memory_space<vmem>> -> memref<128x128xf32, #tpu.memory_space<vmem>>
    tpu.wait_dma2 semaphore(%dma_wait3A_214 : memref<!tpu.dma_semaphore, #tpu.memory_space<semaphore_mem>>) src(%dma_wait3A_220 : memref<128x128xf32, #tpu.memory_space<vmem>>) dst(%dma_wait3A_216 : memref<128x128xf32, #tpu.memory_space<hbm>>)
    %dma_wait3A_221 = arith.constant 1 : i32
    %dma_wait3A_222 = arith.constant 1 : i32
    %dma_wait3A_223 = arith.constant 0 : i32
    %dma_wait3A_224 = arith.constant 0 : i32
    %dma_wait3A_225 = tpu.memref_slice %arg8[%dma_wait3A_221, %dma_wait3A_223, %dma_wait3A_224] : memref<4x128x128xf32, #tpu.memory_space<vmem>> -> memref<1x128x128xf32, #tpu.memory_space<vmem>>
    %dma_wait3A_226 = tpu.memref_squeeze %dma_wait3A_225 : memref<1x128x128xf32, #tpu.memory_space<vmem>> -> memref<128x128xf32, #tpu.memory_space<vmem>>
    %dma_wait3A_227 = arith.constant 0 : i32
    %dma_wait3A_228 = tpu.memref_slice %arg6[%mul3A_103, %dma_wait3A_227] : memref<8192x256xf32, #tpu.memory_space<hbm>> -> memref<128x128xf32, #tpu.memory_space<hbm>>
    %dma_wait3A_229 = tpu.memref_slice %arg10[%dma_wait3A_222] : memref<4x!tpu.dma_semaphore, #tpu.memory_space<semaphore_mem>> -> memref<1x!tpu.dma_semaphore, #tpu.memory_space<semaphore_mem>>
    %dma_wait3A_230 = tpu.memref_squeeze %dma_wait3A_229 : memref<1x!tpu.dma_semaphore, #tpu.memory_space<semaphore_mem>> -> memref<!tpu.dma_semaphore, #tpu.memory_space<semaphore_mem>>
    %dma_wait3A_231 = arith.constant 0 : i32
    %dma_wait3A_232 = tpu.memref_slice %arg6[%mul3A_103, %dma_wait3A_231] : memref<8192x256xf32, #tpu.memory_space<hbm>> -> memref<128x128xf32, #tpu.memory_space<hbm>>
    %dma_wait3A_233 = arith.constant 0 : i32
    %dma_wait3A_234 = arith.constant 0 : i32
    %dma_wait3A_235 = tpu.memref_slice %arg8[%dma_wait3A_221, %dma_wait3A_233, %dma_wait3A_234] : memref<4x128x128xf32, #tpu.memory_space<vmem>> -> memref<1x128x128xf32, #tpu.memory_space<vmem>>
    %dma_wait3A_236 = tpu.memref_squeeze %dma_wait3A_235 : memref<1x128x128xf32, #tpu.memory_space<vmem>> -> memref<128x128xf32, #tpu.memory_space<vmem>>
    tpu.wait_dma2 semaphore(%dma_wait3A_230 : memref<!tpu.dma_semaphore, #tpu.memory_space<semaphore_mem>>) src(%dma_wait3A_236 : memref<128x128xf32, #tpu.memory_space<vmem>>) dst(%dma_wait3A_232 : memref<128x128xf32, #tpu.memory_space<hbm>>)
    %dma_wait3A_237 = arith.constant 2 : i32
    %dma_wait3A_238 = arith.constant 2 : i32
    %dma_wait3A_239 = arith.constant 0 : i32
    %dma_wait3A_240 = arith.constant 0 : i32
    %dma_wait3A_241 = tpu.memref_slice %arg8[%dma_wait3A_237, %dma_wait3A_239, %dma_wait3A_240] : memref<4x128x128xf32, #tpu.memory_space<vmem>> -> memref<1x128x128xf32, #tpu.memory_space<vmem>>
    %dma_wait3A_242 = tpu.memref_squeeze %dma_wait3A_241 : memref<1x128x128xf32, #tpu.memory_space<vmem>> -> memref<128x128xf32, #tpu.memory_space<vmem>>
    %dma_wait3A_243 = arith.constant 128 : i32
    %dma_wait3A_244 = tpu.memref_slice %arg6[%mul3A_153, %dma_wait3A_243] : memref<8192x256xf32, #tpu.memory_space<hbm>> -> memref<128x128xf32, #tpu.memory_space<hbm>>
    %dma_wait3A_245 = tpu.memref_slice %arg10[%dma_wait3A_238] : memref<4x!tpu.dma_semaphore, #tpu.memory_space<semaphore_mem>> -> memref<1x!tpu.dma_semaphore, #tpu.memory_space<semaphore_mem>>
    %dma_wait3A_246 = tpu.memref_squeeze %dma_wait3A_245 : memref<1x!tpu.dma_semaphore, #tpu.memory_space<semaphore_mem>> -> memref<!tpu.dma_semaphore, #tpu.memory_space<semaphore_mem>>
    %dma_wait3A_247 = arith.constant 128 : i32
    %dma_wait3A_248 = tpu.memref_slice %arg6[%mul3A_153, %dma_wait3A_247] : memref<8192x256xf32, #tpu.memory_space<hbm>> -> memref<128x128xf32, #tpu.memory_space<hbm>>
    %dma_wait3A_249 = arith.constant 0 : i32
    %dma_wait3A_250 = arith.constant 0 : i32
    %dma_wait3A_251 = tpu.memref_slice %arg8[%dma_wait3A_237, %dma_wait3A_249, %dma_wait3A_250] : memref<4x128x128xf32, #tpu.memory_space<vmem>> -> memref<1x128x128xf32, #tpu.memory_space<vmem>>
    %dma_wait3A_252 = tpu.memref_squeeze %dma_wait3A_251 : memref<1x128x128xf32, #tpu.memory_space<vmem>> -> memref<128x128xf32, #tpu.memory_space<vmem>>
    tpu.wait_dma2 semaphore(%dma_wait3A_246 : memref<!tpu.dma_semaphore, #tpu.memory_space<semaphore_mem>>) src(%dma_wait3A_252 : memref<128x128xf32, #tpu.memory_space<vmem>>) dst(%dma_wait3A_248 : memref<128x128xf32, #tpu.memory_space<hbm>>)
    %dma_wait3A_253 = arith.constant 3 : i32
    %dma_wait3A_254 = arith.constant 3 : i32
    %dma_wait3A_255 = arith.constant 0 : i32
    %dma_wait3A_256 = arith.constant 0 : i32
    %dma_wait3A_257 = tpu.memref_slice %arg8[%dma_wait3A_253, %dma_wait3A_255, %dma_wait3A_256] : memref<4x128x128xf32, #tpu.memory_space<vmem>> -> memref<1x128x128xf32, #tpu.memory_space<vmem>>
    %dma_wait3A_258 = tpu.memref_squeeze %dma_wait3A_257 : memref<1x128x128xf32, #tpu.memory_space<vmem>> -> memref<128x128xf32, #tpu.memory_space<vmem>>
    %dma_wait3A_259 = arith.constant 128 : i32
    %dma_wait3A_260 = tpu.memref_slice %arg6[%mul3A_188, %dma_wait3A_259] : memref<8192x256xf32, #tpu.memory_space<hbm>> -> memref<128x128xf32, #tpu.memory_space<hbm>>
    %dma_wait3A_261 = tpu.memref_slice %arg10[%dma_wait3A_254] : memref<4x!tpu.dma_semaphore, #tpu.memory_space<semaphore_mem>> -> memref<1x!tpu.dma_semaphore, #tpu.memory_space<semaphore_mem>>
    %dma_wait3A_262 = tpu.memref_squeeze %dma_wait3A_261 : memref<1x!tpu.dma_semaphore, #tpu.memory_space<semaphore_mem>> -> memref<!tpu.dma_semaphore, #tpu.memory_space<semaphore_mem>>
    %dma_wait3A_263 = arith.constant 128 : i32
    %dma_wait3A_264 = tpu.memref_slice %arg6[%mul3A_188, %dma_wait3A_263] : memref<8192x256xf32, #tpu.memory_space<hbm>> -> memref<128x128xf32, #tpu.memory_space<hbm>>
    %dma_wait3A_265 = arith.constant 0 : i32
    %dma_wait3A_266 = arith.constant 0 : i32
    %dma_wait3A_267 = tpu.memref_slice %arg8[%dma_wait3A_253, %dma_wait3A_265, %dma_wait3A_266] : memref<4x128x128xf32, #tpu.memory_space<vmem>> -> memref<1x128x128xf32, #tpu.memory_space<vmem>>
    %dma_wait3A_268 = tpu.memref_squeeze %dma_wait3A_267 : memref<1x128x128xf32, #tpu.memory_space<vmem>> -> memref<128x128xf32, #tpu.memory_space<vmem>>
    tpu.wait_dma2 semaphore(%dma_wait3A_262 : memref<!tpu.dma_semaphore, #tpu.memory_space<semaphore_mem>>) src(%dma_wait3A_268 : memref<128x128xf32, #tpu.memory_space<vmem>>) dst(%dma_wait3A_264 : memref<128x128xf32, #tpu.memory_space<hbm>>)
    return
  }
}

module attributes {stable_mosaic.version = 14 : i64} {
  func.func @_mlp_body(%arg0: i32, %arg1: memref<2048x256xf32, #tpu.memory_space<vmem>>, %arg2: memref<256x1024xbf16, #tpu.memory_space<vmem>>, %arg3: memref<1x1024xf32, #tpu.memory_space<vmem>>, %arg4: memref<1024x512xbf16, #tpu.memory_space<vmem>>, %arg5: memref<1x512xf32, #tpu.memory_space<vmem>>, %arg6: memref<512x256xbf16, #tpu.memory_space<vmem>>, %arg7: memref<1x256xf32, #tpu.memory_space<vmem>>, %arg8: memref<2048x256xf32, #tpu.memory_space<vmem>>) attributes {dimension_semantics = [#tpu.dimension_semantics<arbitrary>], iteration_bounds = array<i64: 4>, scalar_prefetch = 0 : i64, scratch_operands = 0 : i64, tpu.core_type = #tpu.core_type<tc>, window_params = [{transform_indices = @transform_0, window_bounds = array<i64: 2048, 256>}, {pipeline_mode = #tpu.pipeline_mode<synchronous>, transform_indices = @transform_1, window_bounds = array<i64: 256, 1024>}, {pipeline_mode = #tpu.pipeline_mode<synchronous>, transform_indices = @transform_2, window_bounds = array<i64: 1, 1024>}, {pipeline_mode = #tpu.pipeline_mode<synchronous>, transform_indices = @transform_3, window_bounds = array<i64: 1024, 512>}, {pipeline_mode = #tpu.pipeline_mode<synchronous>, transform_indices = @transform_4, window_bounds = array<i64: 1, 512>}, {pipeline_mode = #tpu.pipeline_mode<synchronous>, transform_indices = @transform_5, window_bounds = array<i64: 512, 256>}, {pipeline_mode = #tpu.pipeline_mode<synchronous>, transform_indices = @transform_6, window_bounds = array<i64: 1, 256>}, {transform_indices = @transform_7, window_bounds = array<i64: 2048, 256>}]} {
    %get3A = arith.constant 0 : index
    %get3A_0 = arith.constant 0 : index
    %get3A_1 = vector.load %arg1[%get3A, %get3A_0] : memref<2048x256xf32, #tpu.memory_space<vmem>>, vector<2048x256xf32>
    %convert_element_type3A = arith.truncf %get3A_1 : vector<2048x256xf32> to vector<2048x256xbf16>
    %get3A_2 = arith.constant 0 : index
    %get3A_3 = arith.constant 0 : index
    %get3A_4 = vector.load %arg2[%get3A_2, %get3A_3] : memref<256x1024xbf16, #tpu.memory_space<vmem>>, vector<256x1024xbf16>
    %dot_general3A = arith.constant dense<0.000000e+00> : vector<2048x1024xf32>
    %dot_general3A_5 = tpu.matmul %convert_element_type3A, %get3A_4, %dot_general3A {dimension_numbers = #tpu.dot_dimension_numbers<[1], [0], [0], [1], [0, 0, 1, 1], [], []>, transpose_lhs_hint = false} : vector<2048x256xbf16>, vector<256x1024xbf16>, vector<2048x1024xf32> -> vector<2048x1024xf32>
    %get3A_6 = arith.constant 0 : index
    %get3A_7 = arith.constant 0 : index
    %get3A_8 = vector.load %arg3[%get3A_6, %get3A_7] : memref<1x1024xf32, #tpu.memory_space<vmem>>, vector<1x1024xf32>
    %add3A = vector.broadcast %get3A_8 : vector<1x1024xf32> to vector<2048x1024xf32>
    %add3A_9 = arith.addf %dot_general3A_5, %add3A : vector<2048x1024xf32>
    %max3A = arith.constant 0.000000e+00 : f32
    %max3A_10 = vector.broadcast %max3A : f32 to vector<2048x1024xf32>
    %max3A_11 = arith.maximumf %add3A_9, %max3A_10 : vector<2048x1024xf32>
    %convert_element_type3A_12 = arith.truncf %max3A_11 : vector<2048x1024xf32> to vector<2048x1024xbf16>
    %get3A_13 = arith.constant 0 : index
    %get3A_14 = arith.constant 0 : index
    %get3A_15 = vector.load %arg4[%get3A_13, %get3A_14] : memref<1024x512xbf16, #tpu.memory_space<vmem>>, vector<1024x512xbf16>
    %dot_general3A_16 = arith.constant dense<0.000000e+00> : vector<2048x512xf32>
    %dot_general3A_17 = tpu.matmul %convert_element_type3A_12, %get3A_15, %dot_general3A_16 {dimension_numbers = #tpu.dot_dimension_numbers<[1], [0], [0], [1], [0, 0, 1, 1], [], []>, transpose_lhs_hint = false} : vector<2048x1024xbf16>, vector<1024x512xbf16>, vector<2048x512xf32> -> vector<2048x512xf32>
    %get3A_18 = arith.constant 0 : index
    %get3A_19 = arith.constant 0 : index
    %get3A_20 = vector.load %arg5[%get3A_18, %get3A_19] : memref<1x512xf32, #tpu.memory_space<vmem>>, vector<1x512xf32>
    %add3A_21 = vector.broadcast %get3A_20 : vector<1x512xf32> to vector<2048x512xf32>
    %add3A_22 = arith.addf %dot_general3A_17, %add3A_21 : vector<2048x512xf32>
    %max3A_23 = arith.constant 0.000000e+00 : f32
    %max3A_24 = vector.broadcast %max3A_23 : f32 to vector<2048x512xf32>
    %max3A_25 = arith.maximumf %add3A_22, %max3A_24 : vector<2048x512xf32>
    %convert_element_type3A_26 = arith.truncf %max3A_25 : vector<2048x512xf32> to vector<2048x512xbf16>
    %get3A_27 = arith.constant 0 : index
    %get3A_28 = arith.constant 0 : index
    %get3A_29 = vector.load %arg6[%get3A_27, %get3A_28] : memref<512x256xbf16, #tpu.memory_space<vmem>>, vector<512x256xbf16>
    %dot_general3A_30 = arith.constant dense<0.000000e+00> : vector<2048x256xf32>
    %dot_general3A_31 = tpu.matmul %convert_element_type3A_26, %get3A_29, %dot_general3A_30 {dimension_numbers = #tpu.dot_dimension_numbers<[1], [0], [0], [1], [0, 0, 1, 1], [], []>, transpose_lhs_hint = false} : vector<2048x512xbf16>, vector<512x256xbf16>, vector<2048x256xf32> -> vector<2048x256xf32>
    %get3A_32 = arith.constant 0 : index
    %get3A_33 = arith.constant 0 : index
    %get3A_34 = vector.load %arg7[%get3A_32, %get3A_33] : memref<1x256xf32, #tpu.memory_space<vmem>>, vector<1x256xf32>
    %add3A_35 = vector.broadcast %get3A_34 : vector<1x256xf32> to vector<2048x256xf32>
    %add3A_36 = arith.addf %dot_general3A_31, %add3A_35 : vector<2048x256xf32>
    %max3A_37 = arith.constant 0.000000e+00 : f32
    %max3A_38 = vector.broadcast %max3A_37 : f32 to vector<2048x256xf32>
    %max3A_39 = arith.maximumf %add3A_36, %max3A_38 : vector<2048x256xf32>
    %swap3A = arith.constant 0 : index
    %swap3A_40 = arith.constant 0 : index
    %swap3A_41 = vector.load %arg8[%swap3A, %swap3A_40] : memref<2048x256xf32, #tpu.memory_space<vmem>>, vector<2048x256xf32>
    tpu.vector_store %arg8[%swap3A, %swap3A_40], %max3A_39 {strides = array<i32>} : memref<2048x256xf32, #tpu.memory_space<vmem>>, vector<2048x256xf32>,
    return
  }
  func.func @transform_0(%arg0: i32) -> (i32, i32) {
    %c0_i32 = arith.constant 0 : i32
    %c0_i32_0 = arith.constant 0 : i32
    return %arg0, %c0_i32 : i32, i32
  }
  func.func @transform_1(%arg0: i32) -> (i32, i32) {
    %c0_i32 = arith.constant 0 : i32
    %c0_i32_0 = arith.constant 0 : i32
    %c0_i32_1 = arith.constant 0 : i32
    return %c0_i32, %c0_i32_0 : i32, i32
  }
  func.func @transform_2(%arg0: i32) -> (i32, i32) {
    %c0_i32 = arith.constant 0 : i32
    %c0_i32_0 = arith.constant 0 : i32
    %c0_i32_1 = arith.constant 0 : i32
    return %c0_i32, %c0_i32_0 : i32, i32
  }
  func.func @transform_3(%arg0: i32) -> (i32, i32) {
    %c0_i32 = arith.constant 0 : i32
    %c0_i32_0 = arith.constant 0 : i32
    %c0_i32_1 = arith.constant 0 : i32
    return %c0_i32, %c0_i32_0 : i32, i32
  }
  func.func @transform_4(%arg0: i32) -> (i32, i32) {
    %c0_i32 = arith.constant 0 : i32
    %c0_i32_0 = arith.constant 0 : i32
    %c0_i32_1 = arith.constant 0 : i32
    return %c0_i32, %c0_i32_0 : i32, i32
  }
  func.func @transform_5(%arg0: i32) -> (i32, i32) {
    %c0_i32 = arith.constant 0 : i32
    %c0_i32_0 = arith.constant 0 : i32
    %c0_i32_1 = arith.constant 0 : i32
    return %c0_i32, %c0_i32_0 : i32, i32
  }
  func.func @transform_6(%arg0: i32) -> (i32, i32) {
    %c0_i32 = arith.constant 0 : i32
    %c0_i32_0 = arith.constant 0 : i32
    %c0_i32_1 = arith.constant 0 : i32
    return %c0_i32, %c0_i32_0 : i32, i32
  }
  func.func @transform_7(%arg0: i32) -> (i32, i32) {
    %add3A = arith.constant 0 : i32
    %add3A_0 = arith.addi %arg0, %add3A : i32
    %c0_i32 = arith.constant 0 : i32
    %c0_i32_1 = arith.constant 0 : i32
    return %add3A_0, %c0_i32 : i32, i32
  }
}

module attributes {stable_mosaic.version = 14 : i64} {
  func.func @body(%arg0: i32, %arg1: memref<16384x256xf32, #tpu.memory_space<hbm>>, %arg2: memref<2048x256xf32, #tpu.memory_space<vmem>>, %arg3: memref<256x1024xbf16, #tpu.memory_space<vmem>>, %arg4: memref<1x1024xf32, #tpu.memory_space<vmem>>, %arg5: memref<1024x512xbf16, #tpu.memory_space<vmem>>, %arg6: memref<1x512xf32, #tpu.memory_space<vmem>>, %arg7: memref<512x256xbf16, #tpu.memory_space<vmem>>, %arg8: memref<1x256xf32, #tpu.memory_space<vmem>>, %arg9: memref<2048x256xf32, #tpu.memory_space<vmem>>) attributes {dimension_semantics = [#tpu.dimension_semantics<arbitrary>], iteration_bounds = array<i64: 4>, scalar_prefetch = 0 : i64, scratch_operands = 0 : i64, tpu.core_type = #tpu.core_type<tc>, window_params = [{}, {transform_indices = @transform_1, window_bounds = array<i64: 2048, 256>}, {pipeline_mode = #tpu.pipeline_mode<synchronous>, transform_indices = @transform_2, window_bounds = array<i64: 256, 1024>}, {pipeline_mode = #tpu.pipeline_mode<synchronous>, transform_indices = @transform_3, window_bounds = array<i64: 1, 1024>}, {pipeline_mode = #tpu.pipeline_mode<synchronous>, transform_indices = @transform_4, window_bounds = array<i64: 1024, 512>}, {pipeline_mode = #tpu.pipeline_mode<synchronous>, transform_indices = @transform_5, window_bounds = array<i64: 1, 512>}, {pipeline_mode = #tpu.pipeline_mode<synchronous>, transform_indices = @transform_6, window_bounds = array<i64: 512, 256>}, {pipeline_mode = #tpu.pipeline_mode<synchronous>, transform_indices = @transform_7, window_bounds = array<i64: 1, 256>}, {transform_indices = @transform_8, window_bounds = array<i64: 2048, 256>}]} {
    %get3A = arith.constant 0 : index
    %get3A_0 = arith.constant 0 : index
    %get3A_1 = vector.load %arg2[%get3A, %get3A_0] : memref<2048x256xf32, #tpu.memory_space<vmem>>, vector<2048x256xf32>
    %convert_element_type3A = arith.truncf %get3A_1 : vector<2048x256xf32> to vector<2048x256xbf16>
    %get3A_2 = arith.constant 0 : index
    %get3A_3 = arith.constant 0 : index
    %get3A_4 = vector.load %arg3[%get3A_2, %get3A_3] : memref<256x1024xbf16, #tpu.memory_space<vmem>>, vector<256x1024xbf16>
    %dot_general3A = arith.constant dense<0.000000e+00> : vector<2048x1024xf32>
    %dot_general3A_5 = tpu.matmul %convert_element_type3A, %get3A_4, %dot_general3A {dimension_numbers = #tpu.dot_dimension_numbers<[1], [0], [0], [1], [0, 0, 1, 1], [], []>, transpose_lhs_hint = false} : vector<2048x256xbf16>, vector<256x1024xbf16>, vector<2048x1024xf32> -> vector<2048x1024xf32>
    %get3A_6 = arith.constant 0 : index
    %get3A_7 = arith.constant 0 : index
    %get3A_8 = vector.load %arg4[%get3A_6, %get3A_7] : memref<1x1024xf32, #tpu.memory_space<vmem>>, vector<1x1024xf32>
    %add3A = vector.broadcast %get3A_8 : vector<1x1024xf32> to vector<2048x1024xf32>
    %add3A_9 = arith.addf %dot_general3A_5, %add3A : vector<2048x1024xf32>
    %max3A = arith.constant 0.000000e+00 : f32
    %max3A_10 = vector.broadcast %max3A : f32 to vector<2048x1024xf32>
    %max3A_11 = arith.maximumf %add3A_9, %max3A_10 : vector<2048x1024xf32>
    %convert_element_type3A_12 = arith.truncf %max3A_11 : vector<2048x1024xf32> to vector<2048x1024xbf16>
    %get3A_13 = arith.constant 0 : index
    %get3A_14 = arith.constant 0 : index
    %get3A_15 = vector.load %arg5[%get3A_13, %get3A_14] : memref<1024x512xbf16, #tpu.memory_space<vmem>>, vector<1024x512xbf16>
    %dot_general3A_16 = arith.constant dense<0.000000e+00> : vector<2048x512xf32>
    %dot_general3A_17 = tpu.matmul %convert_element_type3A_12, %get3A_15, %dot_general3A_16 {dimension_numbers = #tpu.dot_dimension_numbers<[1], [0], [0], [1], [0, 0, 1, 1], [], []>, transpose_lhs_hint = false} : vector<2048x1024xbf16>, vector<1024x512xbf16>, vector<2048x512xf32> -> vector<2048x512xf32>
    %get3A_18 = arith.constant 0 : index
    %get3A_19 = arith.constant 0 : index
    %get3A_20 = vector.load %arg6[%get3A_18, %get3A_19] : memref<1x512xf32, #tpu.memory_space<vmem>>, vector<1x512xf32>
    %add3A_21 = vector.broadcast %get3A_20 : vector<1x512xf32> to vector<2048x512xf32>
    %add3A_22 = arith.addf %dot_general3A_17, %add3A_21 : vector<2048x512xf32>
    %max3A_23 = arith.constant 0.000000e+00 : f32
    %max3A_24 = vector.broadcast %max3A_23 : f32 to vector<2048x512xf32>
    %max3A_25 = arith.maximumf %add3A_22, %max3A_24 : vector<2048x512xf32>
    %convert_element_type3A_26 = arith.truncf %max3A_25 : vector<2048x512xf32> to vector<2048x512xbf16>
    %get3A_27 = arith.constant 0 : index
    %get3A_28 = arith.constant 0 : index
    %get3A_29 = vector.load %arg7[%get3A_27, %get3A_28] : memref<512x256xbf16, #tpu.memory_space<vmem>>, vector<512x256xbf16>
    %dot_general3A_30 = arith.constant dense<0.000000e+00> : vector<2048x256xf32>
    %dot_general3A_31 = tpu.matmul %convert_element_type3A_26, %get3A_29, %dot_general3A_30 {dimension_numbers = #tpu.dot_dimension_numbers<[1], [0], [0], [1], [0, 0, 1, 1], [], []>, transpose_lhs_hint = false} : vector<2048x512xbf16>, vector<512x256xbf16>, vector<2048x256xf32> -> vector<2048x256xf32>
    %get3A_32 = arith.constant 0 : index
    %get3A_33 = arith.constant 0 : index
    %get3A_34 = vector.load %arg8[%get3A_32, %get3A_33] : memref<1x256xf32, #tpu.memory_space<vmem>>, vector<1x256xf32>
    %add3A_35 = vector.broadcast %get3A_34 : vector<1x256xf32> to vector<2048x256xf32>
    %add3A_36 = arith.addf %dot_general3A_31, %add3A_35 : vector<2048x256xf32>
    %max3A_37 = arith.constant 0.000000e+00 : f32
    %max3A_38 = vector.broadcast %max3A_37 : f32 to vector<2048x256xf32>
    %max3A_39 = arith.maximumf %add3A_36, %max3A_38 : vector<2048x256xf32>
    %swap3A = arith.constant 0 : index
    %swap3A_40 = arith.constant 0 : index
    %swap3A_41 = vector.load %arg9[%swap3A, %swap3A_40] : memref<2048x256xf32, #tpu.memory_space<vmem>>, vector<2048x256xf32>
    tpu.vector_store %arg9[%swap3A, %swap3A_40], %max3A_39 {strides = array<i32>} : memref<2048x256xf32, #tpu.memory_space<vmem>>, vector<2048x256xf32>,
    return
  }
  func.func @transform_1(%arg0: i32) -> (i32, i32) {
    %c0_i32 = arith.constant 0 : i32
    %c0_i32_0 = arith.constant 0 : i32
    return %arg0, %c0_i32 : i32, i32
  }
  func.func @transform_2(%arg0: i32) -> (i32, i32) {
    %c0_i32 = arith.constant 0 : i32
    %c0_i32_0 = arith.constant 0 : i32
    %c0_i32_1 = arith.constant 0 : i32
    return %c0_i32, %c0_i32_0 : i32, i32
  }
  func.func @transform_3(%arg0: i32) -> (i32, i32) {
    %c0_i32 = arith.constant 0 : i32
    %c0_i32_0 = arith.constant 0 : i32
    %c0_i32_1 = arith.constant 0 : i32
    return %c0_i32, %c0_i32_0 : i32, i32
  }
  func.func @transform_4(%arg0: i32) -> (i32, i32) {
    %c0_i32 = arith.constant 0 : i32
    %c0_i32_0 = arith.constant 0 : i32
    %c0_i32_1 = arith.constant 0 : i32
    return %c0_i32, %c0_i32_0 : i32, i32
  }
  func.func @transform_5(%arg0: i32) -> (i32, i32) {
    %c0_i32 = arith.constant 0 : i32
    %c0_i32_0 = arith.constant 0 : i32
    %c0_i32_1 = arith.constant 0 : i32
    return %c0_i32, %c0_i32_0 : i32, i32
  }
  func.func @transform_6(%arg0: i32) -> (i32, i32) {
    %c0_i32 = arith.constant 0 : i32
    %c0_i32_0 = arith.constant 0 : i32
    %c0_i32_1 = arith.constant 0 : i32
    return %c0_i32, %c0_i32_0 : i32, i32
  }
  func.func @transform_7(%arg0: i32) -> (i32, i32) {
    %c0_i32 = arith.constant 0 : i32
    %c0_i32_0 = arith.constant 0 : i32
    %c0_i32_1 = arith.constant 0 : i32
    return %c0_i32, %c0_i32_0 : i32, i32
  }
  func.func @transform_8(%arg0: i32) -> (i32, i32) {
    %add3A = arith.constant 4 : i32
    %add3A_0 = arith.addi %arg0, %add3A : i32
    %c0_i32 = arith.constant 0 : i32
    %c0_i32_1 = arith.constant 0 : i32
    return %add3A_0, %c0_i32 : i32, i32
  }
}

</mosaic_0001>

<sc_bundles>
// kernel: kernel.6.cloned.1.call-start
scs
__scs_entry_jumppad:
0x0: {  	(pc) =	sbr.rel $0x88, $3  }
0x1: {  	(tag) =	ssettag $0x0;
	lr =	simm.s32 $0x1  }
0x2: {  	[smem:$0x3F97] =	sst lr;
	_ =	strace $0xD0000000  }
0x3: {  	_ = 	snop  }
0x4: {  	_ = 	snop  }
0x5: {  	_ = 	snop  }
0x6: {  	_ = 	snop  }
0x7: {  	_ = 	snop  }
__scs_overlays_trampoline_lowered:
0x8: {  	[smem:$0x3FA6] =	sst s0  }
0x9: {  	[smem:$0x3FA7] =	sst s1  }
0xa: {  	[smem:$0x3FA8] =	sst s2  }
0xb: {  	[smem:$0x3FA9] =	sst s3  }
0xc: {  	[smem:$0x3FAA] =	sst s4  }
0xd: {  	[smem:$0x3FAB] =	sst s5  }
0xe: {  	[smem:$0x3FAC] =	sst s6  }
0xf: {  	[smem:$0x3FAD] =	sst s7  }
0x10: {  	[smem:$0x3FAE] =	sst s8  }
0x11: {  	[smem:$0x3FAF] =	sst s9;
	s0 =	simm.s32 @!p0 $0x0  }
0x12: {  	s1 =	sld [smem:$0x3F95];
	s0 =	simm.s32 @p0 $0x1  }
0x13: {  	[smem:$0x3FB0] =	sst s0;
	s0 =	simm.s32 @!p1 $0x0  }
0x14: {  	s2 =	sld [smem:$0x3F94];
	s0 =	simm.s32 @p1 $0x1  }
0x15: {  	[smem:$0x3FB1] =	sst s0;
	s0 =	simm.s32 @!p2 $0x0  }
0x16: {  	s3 =	sld [smem:$0x3FDB];
	s0 =	simm.s32 @p2 $0x1  }
0x17: {  	s4 =	simm.s32 $0x1BF5;
	[smem:$0x3FB3] =	sst s0  }
0x18: {  	s0 =	sld [smem:$0x3F96];
	_ =	swait.ge [sflag:s4], $0x0  }
0x19: {  	s7 =	sld [smem:$0x3F97]  }
0x1a: {  	s8 =	sadd.s32 $0xFFFFE003, lr  }
0x1b: {  	s9 =	sadd.s32 $0xFFFFFEF7, lr;
	s5 =	simm.s32 $0xFFFFFFFF;
	p2 =	slt.u32 s8, $0xFFFFF086  }
0x1c: {  	p1 =	slt.u32 s9, $0xF7A;
	s5 =	simm.s32 @!p2 $0x0  }
0x1d: {  	s5 =	simm.s32 @p1 $0x1;
	p0 =	seq.s32 s7, s2  }
0x1e: {  	s7 =	smul.u32 @!p0 $0xF7A, s2;
	p2 =	seq.s32 @!p0 s5, $0x0  }
0x1f: {  	s9 =	smul.u32 $0xF7A, s1;
	s8 =	simm.s32 @!p0 $0x1BF5;
	p2 =	por !p2, p0  }
0x20: {  	[sflag:s8] =	ssyncset.s32 @!p0 $0xFFFFF086;
	s6 =	sadd.s32 @!p0 s3, s7;
	s7 =	simm.s32 @!p0 $0x108  }
0x21: {  	s3 =	sadd.s32 s3, s9;
	s6 =	sadd.s32 @!p0 $0x88, s6;
	s7 =	simm.s32 @p2 $0x1082  }
0x22: {  	[simem:s7], [sflag:s8] =	dma.local @!p0 [hbm:s6], $0xF7A  }
0x23: {  	s9 =	sor.u32 $0xD0000000, s2;
	s6 =	simm.s32 $0x108;
	_ =	swait.ge @!p0 [sflag:s8], $0x0  }
0x24: {  	s3 =	sadd.s32 $0x88, s3;
	s6 =	simm.s32 @!p1 $0x1082;
	[sflag:s4] =	ssyncset.s32 $0xFFFFF086  }
0x25: {  	[simem:s6], [sflag:s4] =	dma.local [hbm:s3], $0xF7A  }
0x26: {  	[smem:$0x3F97] =	sst s1;
	(tag) =	ssettag s2;
	_ =	strace s9  }
0x27: {  	s1 =	sld [smem:$0x3FA7]  }
0x28: {  	s2 =	sld [smem:$0x3FA8]  }
0x29: {  	s4 =	sld [smem:$0x3FAA]  }
0x2a: {  	p0 =	seq.s32 s5, $0x0;
	s5 =	sld [smem:$0x3FAB]  }
0x2b: {  	s6 =	sld [smem:$0x3FAC]  }
0x2c: {  	s7 =	sld [smem:$0x3FAD]  }
0x2d: {  	s3 =	simm.s32 $0x108;
	s8 =	sld [smem:$0x3FAE]  }
0x2e: {  	s3 =	simm.s32 @!p0 $0x1082;
	s9 =	sld [smem:$0x3FAF]  }
0x2f: {  	lr =	sadd.s32 s0, s3;
	s0 =	sld [smem:$0x3FA6]  }
0x30: {  	s3 =	sld [smem:$0x3FA9]  }
0x31: {  	[smem:$0x3FB2] =	sst s10  }
0x32: {  	s10 =	sld [smem:$0x3FB0];
	_ =	sdelay $0x3  }
0x33: {  	p0 =	seq.s32 s10, $0x1;
	s10 =	sld [smem:$0x3FB2];
	_ =	sdelay $0x3  }
0x34: {  	[smem:$0x3FB2] =	sst s10  }
0x35: {  	s10 =	sld [smem:$0x3FB1];
	_ =	sdelay $0x3  }
0x36: {  	p1 =	seq.s32 s10, $0x1;
	s10 =	sld [smem:$0x3FB2];
	_ =	sdelay $0x3  }
0x37: {  	[smem:$0x3FB2] =	sst s10  }
0x38: {  	s10 =	sld [smem:$0x3FB3]  }
0x39: {  	_ = 	snop;
	(pc) =	sbr.ind lr, $3  }
0x3a: {  	_ = 	snop  }
0x3b: {  	_ = 	snop  }
0x3c: {  	p2 =	seq.s32 s10, $0x1;
	s10 =	sld [smem:$0x3FB2]  }
0x3d: {  	_ =	shalt  }
0x3e: {  	_ =	shalt  }
0x3f: {  	_ =	shalt  }
0x40: {  	_ =	shalt  }
0x41: {  	_ =	shalt  }
0x42: {  	_ =	shalt  }
0x43: {  	_ =	shalt  }
0x44: {  	_ =	shalt  }
0x45: {  	_ =	shalt  }
0x46: {  	_ =	shalt  }
0x47: {  	_ =	shalt  }
0x48: {  	_ =	shalt  }
0x49: {  	_ =	shalt  }
0x4a: {  	_ =	shalt  }
0x4b: {  	_ =	shalt  }
0x4c: {  	_ =	shalt  }
0x4d: {  	_ =	shalt  }
0x4e: {  	_ =	shalt  }
0x4f: {  	_ =	shalt  }
0x50: {  	_ =	shalt  }
0x51: {  	_ =	shalt  }
0x52: {  	_ =	shalt  }
0x53: {  	_ =	shalt  }
0x54: {  	_ =	shalt  }
0x55: {  	_ =	shalt  }
0x56: {  	_ =	shalt  }
0x57: {  	_ =	shalt  }
0x58: {  	_ =	shalt  }
0x59: {  	_ =	shalt  }
0x5a: {  	_ =	shalt  }
0x5b: {  	_ =	shalt  }
0x5c: {  	_ =	shalt  }
0x5d: {  	_ =	shalt  }
0x5e: {  	_ =	shalt  }
0x5f: {  	_ =	shalt  }
0x60: {  	_ =	shalt  }
0x61: {  	_ =	shalt  }
0x62: {  	_ =	shalt  }
0x63: {  	_ =	shalt  }
0x64: {  	_ =	shalt  }
0x65: {  	_ =	shalt  }
0x66: {  	_ =	shalt  }
0x67: {  	_ =	shalt  }
0x68: {  	_ =	shalt  }
0x69: {  	_ =	shalt  }
0x6a: {  	_ =	shalt  }
0x6b: {  	_ =	shalt  }
0x6c: {  	_ =	shalt  }
0x6d: {  	_ =	shalt  }
0x6e: {  	_ =	shalt  }
0x6f: {  	_ =	shalt  }
0x70: {  	_ =	shalt  }
0x71: {  	_ =	shalt  }
0x72: {  	_ =	shalt  }
0x73: {  	_ =	shalt  }
0x74: {  	_ =	shalt  }
0x75: {  	_ =	shalt  }
0x76: {  	_ =	shalt  }
0x77: {  	_ =	shalt  }
0x78: {  	_ =	shalt  }
0x79: {  	_ =	shalt  }
0x7a: {  	_ =	shalt  }
0x7b: {  	_ =	shalt  }
0x7c: {  	_ =	shalt  }
0x7d: {  	_ =	shalt  }
0x7e: {  	_ =	shalt  }
0x7f: {  	_ =	shalt  }
0x80: {  	_ =	shalt  }
0x81: {  	_ =	shalt  }
0x82: {  	_ =	shalt  }
0x83: {  	_ =	shalt  }
0x84: {  	_ =	shalt  }
0x85: {  	_ =	shalt  }
0x86: {  	_ =	shalt  }
0x87: {  	_ =	shalt  }
.Lfunc_end0:
.L_simem_size_0:
called_computation_lowered:
.L_overlay_start_0:
0x88: {  	s2 =	sld [smem:$0x3FD9]  }
0x89: {  	s3 =	sld [smem:$0x3FFE];
	_ =	sdelay $0x1  }
0x8a: {  	s1 =	srdreg.scid  }
0x8b: {  	s0 =	sand.u32 $0x1, s1  }
0x8c: {  	s18 =	sshll.u32 s0, $0xA;
	s2 =	sadd.s32 s3, s2  }
0x8d: {  	s2 =	sadd.s32 s2, s18  }
0x8e: {  	[smem:$0x3FBE] =	sst s2  }
0x8f: {  	_ = 	snop  }
0x90: {  	s2 =	sld [smem:$0x3FC9]  }
0x91: {  	s19 =	sld [smem:$0x3FC8]  }
0x92: {  	s4 =	sld [smem:$0x3FC7]  }
0x93: {  	s5 =	sld [smem:$0x3FC6]  }
0x94: {  	s6 =	sld [smem:$0x3FD0];
	(tm) =	ssettm $0x1  }
0x95: {  	s7 =	sld [smem:$0x3FFB];
	_ =	sdelay $0x3  }
0x96: {  	_ =	strace s7  }
0x97: {  	s7 =	sld [smem:$0x3FFC];
	_ =	sdelay $0x3  }
0x98: {  	_ =	strace s7  }
0x99: {  	s7 =	sld [smem:$0x3FFD];
	_ =	sdelay $0x3  }
0x9a: {  	_ =	strace s7  }
0x9b: {  	_ =	strace $0x8FFFFFFF  }
0x9c: {  	s20 =	sld [smem:$0x3FDB];
	_ =	sdelay $0x1  }
0x9d: {  	s8 =	simm.s32 $_scs_section_size  }
0x9e: {  	s9 =	simm.s32 $_size__tile_overlayer_lowered;
	s10 =	simm.s32 $_tile_overlayer_lowered  }
0x9f: {  	s23 =	simm.s32 $0x1BFF;
	s22 =	sshll.u32 s10, $0x1;
	s7 =	sadd.s32 s8, s20  }
0xa0: {  	s11 =	simm.s32 $0x0;
	s21 =	sshll.u32 s9, $0x1;
	s9 =	sadd.s32 s22, s7  }
0xa1: {  	[timem:s11], [sflag:s23] =	dma.local [hbm:s9], s21  }
0xa2: {  	_ =	swait.ge [sflag:s23], s21  }
0xa3: {  	s8 =	ssub.s32 $0x0, s21;
	[sflag:s23] =	ssyncset.done $0x0  }
0xa4: {  	[sflag:s23] =	ssyncadd.s32 s8;
	_ =	sdelay $0x1  }
0xa5: {  	s24 =	simm.s32 $0x1B8B  }
0xa6: {  	_ =	swait.ge [sflag:s24], $0x1  }
0xa7: {  	[sflag:s24] =	ssyncset.done $0x0  }
0xa8: {  	s25 =	simm.s32 $0x1B8E;
	[sflag:s24] =	ssyncadd.s32 $0xFFFFFFFF  }
0xa9: {  	s26 =	simm.s32 $execute0_lowered;
	[smem:$0x3FD2] =	sst s25  }
0xaa: {  	s8 =	sshll.u32 s26, $0x1;
	_ =	strace $0x80000046;
	[dreg:$0x1] =	wrdreg $0xFFFFFFFF  }
0xab: {  	s28 =	simm.s32 $_size_execute0_lowered;
	s7 =	sadd.s32 s7, s8;
	[dreg:$0x0] =	wrdreg $0x0  }
0xac: {  	s8 =	sshll.u32 s28, $0x1;
	[dreg:$0x2] =	wrdreg s7  }
0xad: {  	[dreg:$0x3] =	wrdreg s8  }
0xae: {  	[dreg:$0x4] =	wrdreg $0xC0  }
0xaf: {  	_ =	task [dreg:s11], $0x5FFFF  }
0xb0: {  	[dreg:$0x1] =	wrdreg $0xFFFFFFFF  }
0xb1: {  	[dreg:$0x0] =	wrdreg $0x60  }
0xb2: {  	[dreg:$0x2] =	wrdreg s2  }
0xb3: {  	[dreg:$0x3] =	wrdreg s19  }
0xb4: {  	[dreg:$0x4] =	wrdreg s4  }
0xb5: {  	[dreg:$0x5] =	wrdreg s5  }
0xb6: {  	[dreg:$0x6] =	wrdreg s6  }
0xb7: {  	[dreg:$0x7] =	wrdreg $0x9  }
0xb8: {  	_ =	task.clear_ibuf [dreg:s11], $0x8FFFF;
	_ =	strace $0x90000046  }
0xb9: {  	s29 =	simm.s32 $0x9;
	_ =	strace $0x80000048  }
0xba: {  	_ =	swait.ge [sflag:s29], $0x1  }
0xbb: {  	[sflag:s29] =	ssyncadd.s32 $0xFFFFFFFF  }
0xbc: {  	_ =	strace $0x90000048  }
0xbd: {  	_ =	sfence  }
0xbe: {  	s30 =	sld [smem:$0x0];
	_ =	sdelay $0x2  }
0xbf: {  	s31 =	sshll.u32 s1, $0xD;
	s1 =	sshrl.u32 s1, $0x2  }
0xc0: {  	s3 =	sand.u32 $0x4000, s31;
	s1 =	sadd.s32 s1, s30  }
0xc1: {  	s0 =	sor.u32 s3, s0;
	s1 =	sshll.u32 s1, $0x11  }
0xc2: {  	s0 =	sor.u32 s1, s0  }
0xc3: {  	s0 =	sadd.s32 $0x8F2B, s0  }
0xc4: {  	[sflag:s0] =	ssyncadd.remote.s32 $0x1  }
0xc5: {  	_ =	sfence.sel $0xFFFF  }
0xc6: {  	[dreg:$0x0] =	wrdreg $0xFFFFFFFF;
	(pc) =	sbr.abs _section_cstart, $3  }
0xc7: {  	[dreg:$0x1] =	wrdreg $0xFFFFFFFF  }
0xc8: {  	_ =	task.clear_ibuf [dreg:s11], $0x2FFFF;
	_ =	strace $0x9FFFFFFF  }
0xc9: {  	(tm) =	ssettm $0x7FFFFFFF  }
tec
execute0_lowered:
.L_overlay_start_1:
0x0: {  	(tag) =	ssettag $0x1  }
0x1: {  	s5 =	rddreg [dreg:$0x0]  }
0x2: {  	s7 =	rddreg [dreg:$0x1]  }
0x3: {  	s2 =	rddreg [dreg:$0x2]  }
0x4: {  	s3 =	rddreg [dreg:$0x3]  }
0x5: {  	s1 =	srdreg.scid;
	s0 =	stileid.u32  }
0x6: {  	s13 =	rddreg [dreg:$0x4];
	s28 =	sand.u32 $0x1, s1;
	s6 =	sshll.u32 s0, $0x1  }
0x7: {  	s4 =	simm.s32 $0x0;
	s1 =	rddreg [dreg:$0x5];
	s14 =	sor.u32 s28, s6  }
0x8: {  	[smem:$0x7FF] =	sst s4;
	s8 =	sshll.u32 s14, $0x5  }
0x9: {  	_ =	strace $0x80000047;
	s6 =	simm.s32 $0x9;
	s5 =	sadd.s32 s5, s8  }
0xa: {  	[tilespmem:s4], [sflag:$0x9] =	stream.linear.gather [hbm4b:s5+s4], $0x100, $0x38;
	[tilespmem:$0x10200] =	vst v63  }
0xb: {  	_ =	swait.ge [sflag:s6], $0x100  }
0xc: {  	[sflag:s6] =	ssyncset.done $0x0  }
0xd: {  	s7 =	sadd.s32 s7, s8;
	s8 =	simm.s32 $0x100;
	[sflag:s6] =	ssyncadd.s32 $0xFFFFFF00  }
0xe: {  	[tilespmem:s8], [sflag:$0x9] =	stream.linear.gather [hbm4b:s7+s4], $0x100, $0x38;
	[tilespmem:$0x10200] =	vst v63  }
0xf: {  	_ =	swait.ge [sflag:s6], $0x100  }
0x10: {  	[sflag:s6] =	ssyncset.done $0x0  }
0x11: {  	s9 =	simm.s32 $0x80;
	s10 =	simm.s32 $0x200;
	[sflag:s6] =	ssyncadd.s32 $0xFFFFFF00  }
0x12: {  	[tilespmem:s10], [sflag:$0x1] =	stream.indirect.gather [hbm4b:s2+s9], $0x80, s4, s9, $0xb8;
	[tilespmem:$0x10200] =	vst v63  }
0x13: {  	s11 =	simm.s32 $0x4200;
	s12 =	simm.s32 $0x1  }
0x14: {  	[tilespmem:s11], [sflag:$0x2] =	stream.indirect.gather [hbm4b:s2+s9], $0x80, s9, s9, $0xb8;
	[tilespmem:$0x10200] =	vst v63  }
0x15: {  	_ =	swait.ge [sflag:s12], $0x4000  }
0x16: {  	s15 =	simm.s32 $0x800;
	s14 =	sshll.u32 s14, $0xD;
	[sflag:s12] =	ssyncset.done $0x0  }
0x17: {  	s13 =	sadd.s32 s13, s14;
	s14 =	simm.s32 $0x400;
	[sflag:s12] =	ssyncadd.s32 $0xFFFFC000  }
0x18: {  	[hbm4b:s13+s14] =	stream.strided.scatter [tilespmem:s10], [sflag:$0x5], $0x4000, s15, s14, $0x38;
	[tilespmem:$0x10200] =	vst v63  }
0x19: {  	s16 =	simm.s32 $0x8200;
	s17 =	simm.s32 $0x2  }
0x1a: {  	[tilespmem:s16], [sflag:$0x3] =	stream.indirect.gather [hbm4b:s3+s9], $0x80, s8, s9, $0xb8;
	[tilespmem:$0x10200] =	vst v63  }
0x1b: {  	_ =	swait.ge [sflag:s17], $0x4000  }
0x1c: {  	[sflag:s17] =	ssyncset.done $0x0  }
0x1d: {  	s18 =	sadd.s32 $0x1000, s13;
	[sflag:s17] =	ssyncadd.s32 $0xFFFFC000  }
0x1e: {  	[hbm4b:s18+s14] =	stream.strided.scatter [tilespmem:s11], [sflag:$0x6], $0x4000, s15, s14, $0x38;
	[tilespmem:$0x10200] =	vst v63  }
0x1f: {  	s19 =	simm.s32 $0x180;
	s20 =	simm.s32 $0xC200;
	s21 =	simm.s32 $0x3  }
0x20: {  	[tilespmem:s20], [sflag:$0x4] =	stream.indirect.gather [hbm4b:s3+s9], $0x80, s19, s9, $0xb8;
	[tilespmem:$0x10200] =	vst v63  }
0x21: {  	_ =	swait.ge [sflag:s21], $0x4000  }
0x22: {  	[sflag:s21] =	ssyncset.done $0x0  }
0x23: {  	s23 =	simm.s32 $0x4;
	s22 =	sadd.s32 $0x80, s13;
	[sflag:s21] =	ssyncadd.s32 $0xFFFFC000  }
0x24: {  	[hbm4b:s22+s14] =	stream.strided.scatter [tilespmem:s16], [sflag:$0x7], $0x4000, s15, s14, $0x38;
	[tilespmem:$0x10200] =	vst v63  }
0x25: {  	_ =	swait.ge [sflag:s23], $0x4000  }
0x26: {  	[sflag:s23] =	ssyncset.done $0x0  }
0x27: {  	s25 =	simm.s32 $0x5;
	s24 =	sadd.s32 $0x1080, s13;
	[sflag:s23] =	ssyncadd.s32 $0xFFFFC000  }
0x28: {  	[hbm4b:s24+s14] =	stream.strided.scatter [tilespmem:s20], [sflag:$0x8], $0x4000, s15, s14, $0x38;
	[tilespmem:$0x10200] =	vst v63  }
0x29: {  	_ =	swait.ge [sflag:s25], $0x4000  }
0x2a: {  	s29 =	ssub.s32 $0x2, s28;
	[sflag:s25] =	ssyncset.done $0x0  }
0x2b: {  	s26 =	simm.s32 $0x6;
	s30 =	sshrl.u32 s29, $0x1;
	[sflag:s25] =	ssyncadd.s32 $0xFFFFC000  }
0x2c: {  	s29 =	ssub.s32 s29, s30;
	_ =	swait.ge [sflag:s26], $0x4000  }
0x2d: {  	s30 =	smax.u32 s29, $0x1;
	[sflag:s26] =	ssyncset.done $0x0  }
0x2e: {  	s28 =	simm.s32 $0x7;
	p0 =	sne.s32 s30, $0x1;
	[sflag:s26] =	ssyncadd.s32 $0xFFFFC000  }
.Ltmp0:
0x2f: {  	_ =	swait.ge [sflag:s28], $0x4000;
	(pc) =	sbr.rel @!p0 .LBB2_2-.Ltmp0, $4  }
0x30: {  	[sflag:s28] =	ssyncset.done $0x0  }
0x31: {  	s29 =	simm.s32 $0x8;
	[sflag:s28] =	ssyncadd.s32 $0xFFFFC000  }
0x32: {  	_ =	swait.ge [sflag:s29], $0x4000  }
0x33: {  	s30 =	sadd.s32 $0xFFFFFFFF, s30;
	[sflag:s29] =	ssyncset.done $0x0  }
.LBB2_1:
0x34: {  	p0 =	sne.s32 s30, $0x1;
	s30 =	sadd.s32 $0xFFFFFFFF, s30;
	[sflag:s29] =	ssyncadd.s32 $0xFFFFC000  }
0x35: {  	[tilespmem:s4], [sflag:$0x9] =	stream.linear.gather [hbm4b:s5+s4], $0x100, $0x38;
	[tilespmem:$0x10200] =	vst v63  }
0x36: {  	_ =	swait.ge [sflag:s6], $0x100  }
0x37: {  	[sflag:s6] =	ssyncset.done $0x0  }
0x38: {  	[sflag:s6] =	ssyncadd.s32 $0xFFFFFF00  }
0x39: {  	[tilespmem:s8], [sflag:$0x9] =	stream.linear.gather [hbm4b:s7+s4], $0x100, $0x38;
	[tilespmem:$0x10200] =	vst v63  }
0x3a: {  	_ =	swait.ge [sflag:s6], $0x100  }
0x3b: {  	[sflag:s6] =	ssyncset.done $0x0  }
0x3c: {  	[sflag:s6] =	ssyncadd.s32 $0xFFFFFF00  }
0x3d: {  	[tilespmem:s10], [sflag:$0x1] =	stream.indirect.gather [hbm4b:s2+s9], $0x80, s4, s9, $0xb8;
	[tilespmem:$0x10200] =	vst v63  }
0x3e: {  	_ = 	snop  }
0x3f: {  	[tilespmem:s11], [sflag:$0x2] =	stream.indirect.gather [hbm4b:s2+s9], $0x80, s9, s9, $0xb8;
	[tilespmem:$0x10200] =	vst v63  }
0x40: {  	_ =	swait.ge [sflag:s12], $0x4000  }
0x41: {  	[sflag:s12] =	ssyncset.done $0x0  }
0x42: {  	[sflag:s12] =	ssyncadd.s32 $0xFFFFC000  }
0x43: {  	[hbm4b:s13+s14] =	stream.strided.scatter [tilespmem:s10], [sflag:$0x5], $0x4000, s15, s14, $0x38;
	[tilespmem:$0x10200] =	vst v63  }
0x44: {  	_ = 	snop  }
0x45: {  	[tilespmem:s16], [sflag:$0x3] =	stream.indirect.gather [hbm4b:s3+s9], $0x80, s8, s9, $0xb8;
	[tilespmem:$0x10200] =	vst v63  }
0x46: {  	_ =	swait.ge [sflag:s17], $0x4000  }
0x47: {  	[sflag:s17] =	ssyncset.done $0x0  }
0x48: {  	[sflag:s17] =	ssyncadd.s32 $0xFFFFC000  }
0x49: {  	[hbm4b:s18+s14] =	stream.strided.scatter [tilespmem:s11], [sflag:$0x6], $0x4000, s15, s14, $0x38;
	[tilespmem:$0x10200] =	vst v63  }
0x4a: {  	_ = 	snop  }
0x4b: {  	[tilespmem:s20], [sflag:$0x4] =	stream.indirect.gather [hbm4b:s3+s9], $0x80, s19, s9, $0xb8;
	[tilespmem:$0x10200] =	vst v63  }
0x4c: {  	_ =	swait.ge [sflag:s21], $0x4000  }
0x4d: {  	[sflag:s21] =	ssyncset.done $0x0  }
0x4e: {  	[sflag:s21] =	ssyncadd.s32 $0xFFFFC000  }
0x4f: {  	[hbm4b:s22+s14] =	stream.strided.scatter [tilespmem:s16], [sflag:$0x7], $0x4000, s15, s14, $0x38;
	[tilespmem:$0x10200] =	vst v63  }
0x50: {  	_ =	swait.ge [sflag:s23], $0x4000  }
0x51: {  	[sflag:s23] =	ssyncset.done $0x0  }
0x52: {  	[sflag:s23] =	ssyncadd.s32 $0xFFFFC000  }
0x53: {  	[hbm4b:s24+s14] =	stream.strided.scatter [tilespmem:s20], [sflag:$0x8], $0x4000, s15, s14, $0x38;
	[tilespmem:$0x10200] =	vst v63  }
0x54: {  	_ =	swait.ge [sflag:s25], $0x4000  }
0x55: {  	[sflag:s25] =	ssyncset.done $0x0  }
0x56: {  	[sflag:s25] =	ssyncadd.s32 $0xFFFFC000  }
0x57: {  	_ =	swait.ge [sflag:s26], $0x4000  }
0x58: {  	[sflag:s26] =	ssyncset.done $0x0  }
0x59: {  	[sflag:s26] =	ssyncadd.s32 $0xFFFFC000  }
.Ltmp1:
0x5a: {  	_ =	swait.ge [sflag:s28], $0x4000;
	(pc) =	sbr.rel @p0 .LBB2_1-.Ltmp1, $4  }
0x5b: {  	[sflag:s28] =	ssyncset.done $0x0  }
0x5c: {  	[sflag:s28] =	ssyncadd.s32 $0xFFFFC000  }
0x5d: {  	_ =	swait.ge [sflag:s29], $0x4000  }
0x5e: {  	[sflag:s29] =	ssyncset.done $0x0  }
.LBB2_2:
0x5f: {  	[sflag:s29] =	ssyncadd.s32 $0xFFFFC000  }
0x60: {  	_ =	sfence.sel $0x180000  }
0x61: {  	[bflag:$0x0] =	sbarrier.arrive $0xFFFF  }
0x62: {  	p0 =	sne.s32 s0, $0x0;
	_ =	strace $0x90000047  }
0x63: {  	s0 =	sadd.s32 @!p0 $0x100000, s1;
	[bflag:$0x2] =	sbarrier.arrive $0xFFFF  }
0x64: {  	[sflag:s0] =	ssyncadd.tile.s32 @!p0 $0x1;
	_ =	shalt  }
.Lfunc_end2:
_tile_overlayer_lowered:
.L_overlay_start_2:
0x65: {  	(tag) =	ssettag $0x2  }
0x66: {  	s0 =	rddreg [dreg:$0x0];
	s2 =	stileid.u32  }
0x67: {  	s1 =	rddreg [dreg:$0x1];
	p0 =	sne.s32 s2, $0x0  }
0x68: {  	s3 =	rddreg [dreg:$0x2];
	[bflag:$0x3] =	sbarrier.arrive $0xFFFF;
	s2 =	simm.s32 @!p0 $0x1C09  }
0x69: {  	[timem:s3], [sflag:s2] =	dma.local @!p0 [hbm:s0], s1  }
0x6a: {  	s0 =	simm.s32 @!p0 $0x9  }
0x6b: {  	_ =	swait.ge @!p0 [sflag:s0], s1  }
0x6c: {  	s1 =	ssub.s32 @!p0 $0x0, s1;
	[sflag:s0] =	ssyncset.done @!p0 $0x0  }
0x6d: {  	[sflag:s0] =	ssyncadd.s32 @!p0 s1  }
0x6e: {  	[bflag:$0x3] =	sbarrier.arrive $0xFFFF  }
0x6f: {  	_ =	shalt  }

// kernel: kernel.9.cloned.1.call-start
scs
__scs_entry_jumppad:
0x0: {  	(pc) =	sbr.rel $0x88, $3  }
0x1: {  	(tag) =	ssettag $0x0;
	lr =	simm.s32 $0x1  }
0x2: {  	[smem:$0x3F97] =	sst lr;
	_ =	strace $0xD0000000  }
0x3: {  	_ = 	snop  }
0x4: {  	_ = 	snop  }
0x5: {  	_ = 	snop  }
0x6: {  	_ = 	snop  }
0x7: {  	_ = 	snop  }
__scs_overlays_trampoline_lowered:
0x8: {  	[smem:$0x3FA6] =	sst s0  }
0x9: {  	[smem:$0x3FA7] =	sst s1  }
0xa: {  	[smem:$0x3FA8] =	sst s2  }
0xb: {  	[smem:$0x3FA9] =	sst s3  }
0xc: {  	[smem:$0x3FAA] =	sst s4  }
0xd: {  	[smem:$0x3FAB] =	sst s5  }
0xe: {  	[smem:$0x3FAC] =	sst s6  }
0xf: {  	[smem:$0x3FAD] =	sst s7  }
0x10: {  	[smem:$0x3FAE] =	sst s8  }
0x11: {  	[smem:$0x3FAF] =	sst s9;
	s0 =	simm.s32 @!p0 $0x0  }
0x12: {  	s1 =	sld [smem:$0x3F95];
	s0 =	simm.s32 @p0 $0x1  }
0x13: {  	[smem:$0x3FB0] =	sst s0;
	s0 =	simm.s32 @!p1 $0x0  }
0x14: {  	s2 =	sld [smem:$0x3F94];
	s0 =	simm.s32 @p1 $0x1  }
0x15: {  	[smem:$0x3FB1] =	sst s0;
	s0 =	simm.s32 @!p2 $0x0  }
0x16: {  	s3 =	sld [smem:$0x3FDB];
	s0 =	simm.s32 @p2 $0x1  }
0x17: {  	s4 =	simm.s32 $0x1BF5;
	[smem:$0x3FB3] =	sst s0  }
0x18: {  	s0 =	sld [smem:$0x3F96];
	_ =	swait.ge [sflag:s4], $0x0  }
0x19: {  	s7 =	sld [smem:$0x3F97]  }
0x1a: {  	s8 =	sadd.s32 $0xFFFFE003, lr  }
0x1b: {  	s9 =	sadd.s32 $0xFFFFFEF7, lr;
	s5 =	simm.s32 $0xFFFFFFFF;
	p2 =	slt.u32 s8, $0xFFFFF086  }
0x1c: {  	p1 =	slt.u32 s9, $0xF7A;
	s5 =	simm.s32 @!p2 $0x0  }
0x1d: {  	s5 =	simm.s32 @p1 $0x1;
	p0 =	seq.s32 s7, s2  }
0x1e: {  	s7 =	smul.u32 @!p0 $0xF7A, s2;
	p2 =	seq.s32 @!p0 s5, $0x0  }
0x1f: {  	s9 =	smul.u32 $0xF7A, s1;
	s8 =	simm.s32 @!p0 $0x1BF5;
	p2 =	por !p2, p0  }
0x20: {  	[sflag:s8] =	ssyncset.s32 @!p0 $0xFFFFF086;
	s6 =	sadd.s32 @!p0 s3, s7;
	s7 =	simm.s32 @!p0 $0x108  }
0x21: {  	s3 =	sadd.s32 s3, s9;
	s6 =	sadd.s32 @!p0 $0x88, s6;
	s7 =	simm.s32 @p2 $0x1082  }
0x22: {  	[simem:s7], [sflag:s8] =	dma.local @!p0 [hbm:s6], $0xF7A  }
0x23: {  	s9 =	sor.u32 $0xD0000000, s2;
	s6 =	simm.s32 $0x108;
	_ =	swait.ge @!p0 [sflag:s8], $0x0  }
0x24: {  	s3 =	sadd.s32 $0x88, s3;
	s6 =	simm.s32 @!p1 $0x1082;
	[sflag:s4] =	ssyncset.s32 $0xFFFFF086  }
0x25: {  	[simem:s6], [sflag:s4] =	dma.local [hbm:s3], $0xF7A  }
0x26: {  	[smem:$0x3F97] =	sst s1;
	(tag) =	ssettag s2;
	_ =	strace s9  }
0x27: {  	s1 =	sld [smem:$0x3FA7]  }
0x28: {  	s2 =	sld [smem:$0x3FA8]  }
0x29: {  	s4 =	sld [smem:$0x3FAA]  }
0x2a: {  	p0 =	seq.s32 s5, $0x0;
	s5 =	sld [smem:$0x3FAB]  }
0x2b: {  	s6 =	sld [smem:$0x3FAC]  }
0x2c: {  	s7 =	sld [smem:$0x3FAD]  }
0x2d: {  	s3 =	simm.s32 $0x108;
	s8 =	sld [smem:$0x3FAE]  }
0x2e: {  	s3 =	simm.s32 @!p0 $0x1082;
	s9 =	sld [smem:$0x3FAF]  }
0x2f: {  	lr =	sadd.s32 s0, s3;
	s0 =	sld [smem:$0x3FA6]  }
0x30: {  	s3 =	sld [smem:$0x3FA9]  }
0x31: {  	[smem:$0x3FB2] =	sst s10  }
0x32: {  	s10 =	sld [smem:$0x3FB0];
	_ =	sdelay $0x3  }
0x33: {  	p0 =	seq.s32 s10, $0x1;
	s10 =	sld [smem:$0x3FB2];
	_ =	sdelay $0x3  }
0x34: {  	[smem:$0x3FB2] =	sst s10  }
0x35: {  	s10 =	sld [smem:$0x3FB1];
	_ =	sdelay $0x3  }
0x36: {  	p1 =	seq.s32 s10, $0x1;
	s10 =	sld [smem:$0x3FB2];
	_ =	sdelay $0x3  }
0x37: {  	[smem:$0x3FB2] =	sst s10  }
0x38: {  	s10 =	sld [smem:$0x3FB3]  }
0x39: {  	_ = 	snop;
	(pc) =	sbr.ind lr, $3  }
0x3a: {  	_ = 	snop  }
0x3b: {  	_ = 	snop  }
0x3c: {  	p2 =	seq.s32 s10, $0x1;
	s10 =	sld [smem:$0x3FB2]  }
0x3d: {  	_ =	shalt  }
0x3e: {  	_ =	shalt  }
0x3f: {  	_ =	shalt  }
0x40: {  	_ =	shalt  }
0x41: {  	_ =	shalt  }
0x42: {  	_ =	shalt  }
0x43: {  	_ =	shalt  }
0x44: {  	_ =	shalt  }
0x45: {  	_ =	shalt  }
0x46: {  	_ =	shalt  }
0x47: {  	_ =	shalt  }
0x48: {  	_ =	shalt  }
0x49: {  	_ =	shalt  }
0x4a: {  	_ =	shalt  }
0x4b: {  	_ =	shalt  }
0x4c: {  	_ =	shalt  }
0x4d: {  	_ =	shalt  }
0x4e: {  	_ =	shalt  }
0x4f: {  	_ =	shalt  }
0x50: {  	_ =	shalt  }
0x51: {  	_ =	shalt  }
0x52: {  	_ =	shalt  }
0x53: {  	_ =	shalt  }
0x54: {  	_ =	shalt  }
0x55: {  	_ =	shalt  }
0x56: {  	_ =	shalt  }
0x57: {  	_ =	shalt  }
0x58: {  	_ =	shalt  }
0x59: {  	_ =	shalt  }
0x5a: {  	_ =	shalt  }
0x5b: {  	_ =	shalt  }
0x5c: {  	_ =	shalt  }
0x5d: {  	_ =	shalt  }
0x5e: {  	_ =	shalt  }
0x5f: {  	_ =	shalt  }
0x60: {  	_ =	shalt  }
0x61: {  	_ =	shalt  }
0x62: {  	_ =	shalt  }
0x63: {  	_ =	shalt  }
0x64: {  	_ =	shalt  }
0x65: {  	_ =	shalt  }
0x66: {  	_ =	shalt  }
0x67: {  	_ =	shalt  }
0x68: {  	_ =	shalt  }
0x69: {  	_ =	shalt  }
0x6a: {  	_ =	shalt  }
0x6b: {  	_ =	shalt  }
0x6c: {  	_ =	shalt  }
0x6d: {  	_ =	shalt  }
0x6e: {  	_ =	shalt  }
0x6f: {  	_ =	shalt  }
0x70: {  	_ =	shalt  }
0x71: {  	_ =	shalt  }
0x72: {  	_ =	shalt  }
0x73: {  	_ =	shalt  }
0x74: {  	_ =	shalt  }
0x75: {  	_ =	shalt  }
0x76: {  	_ =	shalt  }
0x77: {  	_ =	shalt  }
0x78: {  	_ =	shalt  }
0x79: {  	_ =	shalt  }
0x7a: {  	_ =	shalt  }
0x7b: {  	_ =	shalt  }
0x7c: {  	_ =	shalt  }
0x7d: {  	_ =	shalt  }
0x7e: {  	_ =	shalt  }
0x7f: {  	_ =	shalt  }
0x80: {  	_ =	shalt  }
0x81: {  	_ =	shalt  }
0x82: {  	_ =	shalt  }
0x83: {  	_ =	shalt  }
0x84: {  	_ =	shalt  }
0x85: {  	_ =	shalt  }
0x86: {  	_ =	shalt  }
0x87: {  	_ =	shalt  }
.Lfunc_end0:
.L_simem_size_0:
called_computation.1_lowered:
.L_overlay_start_0:
0x88: {  	s2 =	sld [smem:$0x3FD9]  }
0x89: {  	s3 =	sld [smem:$0x3FFE];
	_ =	sdelay $0x1  }
0x8a: {  	s1 =	srdreg.scid  }
0x8b: {  	s0 =	sand.u32 $0x1, s1  }
0x8c: {  	s17 =	sshll.u32 s0, $0xA;
	s2 =	sadd.s32 s3, s2  }
0x8d: {  	s2 =	sadd.s32 s2, s17  }
0x8e: {  	[smem:$0x3FBE] =	sst s2  }
0x8f: {  	_ = 	snop  }
0x90: {  	s18 =	sld [smem:$0x3FC9]  }
0x91: {  	s4 =	sld [smem:$0x3FC8]  }
0x92: {  	s5 =	sld [smem:$0x3FC7]  }
0x93: {  	s6 =	sld [smem:$0x3FC6];
	(tm) =	ssettm $0x1  }
0x94: {  	s19 =	sld [smem:$0x3FFB];
	_ =	sdelay $0x3  }
0x95: {  	_ =	strace s19  }
0x96: {  	s2 =	sld [smem:$0x3FFC];
	_ =	sdelay $0x3  }
0x97: {  	_ =	strace s2  }
0x98: {  	s2 =	sld [smem:$0x3FFD];
	_ =	sdelay $0x3  }
0x99: {  	_ =	strace s2  }
0x9a: {  	_ =	strace $0x8FFFFFFF  }
0x9b: {  	s20 =	sld [smem:$0x3FDB];
	_ =	sdelay $0x1  }
0x9c: {  	s7 =	simm.s32 $_scs_section_size  }
0x9d: {  	s8 =	simm.s32 $_size__tile_overlayer_lowered;
	s9 =	simm.s32 $_tile_overlayer_lowered  }
0x9e: {  	s10 =	simm.s32 $0x1BFF;
	s21 =	sshll.u32 s9, $0x1;
	s7 =	sadd.s32 s7, s20  }
0x9f: {  	s22 =	simm.s32 $0x0;
	s8 =	sshll.u32 s8, $0x1;
	s9 =	sadd.s32 s21, s7  }
0xa0: {  	[timem:s22], [sflag:s10] =	dma.local [hbm:s9], s8  }
0xa1: {  	_ =	swait.ge [sflag:s10], s8  }
0xa2: {  	s8 =	ssub.s32 $0x0, s8;
	[sflag:s10] =	ssyncset.done $0x0  }
0xa3: {  	[sflag:s10] =	ssyncadd.s32 s8;
	_ =	sdelay $0x1  }
0xa4: {  	s23 =	simm.s32 $0x1B8B  }
0xa5: {  	_ =	swait.ge [sflag:s23], $0x1  }
0xa6: {  	[sflag:s23] =	ssyncset.done $0x0  }
0xa7: {  	[sflag:s23] =	ssyncadd.s32 $0xFFFFFFFF  }
0xa8: {  	s8 =	sld [smem:$0x0]  }
0xa9: {  	s9 =	sand.u32 $0xFFFFFFFE, s1  }
0xaa: {  	p0 =	sne.s32 s1, s9  }
0xab: {  	s9 =	sshll.u32 @p0 s9, $0xE  }
0xac: {  	s9 =	sadd.s32 @p0 $0x11B8D, s9;
	s10 =	sshll.u32 @p0 s8, $0x11  }
0xad: {  	s9 =	sor.u32 @p0 s10, s9  }
0xae: {  	[sflag:s9] =	ssyncadd.remote.s32 @p0 $0x1;
	_ =	sdelay $0x1  }
0xaf: {  	s9 =	simm.s32 @p0 $0x1B8D  }
0xb0: {  	_ =	swait.eq @p0 [sflag:s9], $0x1  }
0xb1: {  	[sflag:s9] =	ssyncadd.s32 @p0 $0xFFFFFFFF  }
0xb2: {  	s10 =	sshll.u32 @!p0 s1, $0xE  }
0xb3: {  	s10 =	sor.u32 @!p0 $0x4000, s10;
	s9 =	simm.s32 @!p0 $0x1B8D  }
0xb4: {  	s8 =	sshll.u32 @!p0 s8, $0x11;
	s10 =	sadd.s32 @!p0 $0x11B8D, s10;
	_ =	swait.eq @!p0 [sflag:s9], $0x1  }
0xb5: {  	s8 =	sor.u32 @!p0 s8, s10;
	[sflag:s9] =	ssyncadd.s32 @!p0 $0xFFFFFFFF  }
0xb6: {  	s25 =	simm.s32 $0x1B8E;
	s24 =	sld [smem:$0x3FFE];
	[sflag:s8] =	ssyncadd.remote.s32 @!p0 $0x1  }
0xb7: {  	s26 =	simm.s32 $execute0_lowered;
	[smem:$0x3FD2] =	sst s25  }
0xb8: {  	s9 =	sshll.u32 s26, $0x1;
	_ =	strace $0x80000049;
	[dreg:$0x1] =	wrdreg $0xFFFFFFFF  }
0xb9: {  	s28 =	simm.s32 $_size_execute0_lowered;
	s7 =	sadd.s32 s7, s9;
	[dreg:$0x0] =	wrdreg $0x0  }
0xba: {  	s9 =	sshll.u32 s28, $0x1;
	[dreg:$0x2] =	wrdreg s7  }
0xbb: {  	[dreg:$0x3] =	wrdreg s9  }
0xbc: {  	[dreg:$0x4] =	wrdreg $0xC0  }
0xbd: {  	_ =	task [dreg:s22], $0x5FFFF  }
0xbe: {  	[dreg:$0x1] =	wrdreg $0xFFFFFFFF  }
0xbf: {  	[dreg:$0x0] =	wrdreg $0x60  }
0xc0: {  	[dreg:$0x2] =	wrdreg s18  }
0xc1: {  	[dreg:$0x3] =	wrdreg s4  }
0xc2: {  	[dreg:$0x4] =	wrdreg s5  }
0xc3: {  	[dreg:$0x5] =	wrdreg s6  }
0xc4: {  	[dreg:$0x6] =	wrdreg s24  }
0xc5: {  	[dreg:$0x7] =	wrdreg $0xA  }
0xc6: {  	_ =	task.clear_ibuf [dreg:s22], $0x8FFFF;
	_ =	strace $0x90000049  }
0xc7: {  	s29 =	simm.s32 $0xA;
	_ =	strace $0x8000004B  }
0xc8: {  	_ =	swait.ge [sflag:s29], $0x1  }
0xc9: {  	[sflag:s29] =	ssyncadd.s32 $0xFFFFFFFF  }
0xca: {  	_ =	strace $0x9000004B  }
0xcb: {  	_ =	sfence  }
0xcc: {  	s30 =	sld [smem:$0x0];
	_ =	sdelay $0x2  }
0xcd: {  	s31 =	sshll.u32 s1, $0xD;
	s1 =	sshrl.u32 s1, $0x2  }
0xce: {  	s4 =	sand.u32 $0x4000, s31;
	s1 =	sadd.s32 s1, s30  }
0xcf: {  	s0 =	sor.u32 s4, s0;
	s1 =	sshll.u32 s1, $0x11  }
0xd0: {  	s0 =	sor.u32 s1, s0  }
0xd1: {  	s0 =	sadd.s32 $0x8F2B, s0  }
0xd2: {  	[sflag:s0] =	ssyncadd.remote.s32 $0x1  }
0xd3: {  	_ =	sfence.sel $0xFFFF  }
0xd4: {  	[dreg:$0x0] =	wrdreg $0xFFFFFFFF;
	(pc) =	sbr.abs _section_cstart, $3  }
0xd5: {  	[dreg:$0x1] =	wrdreg $0xFFFFFFFF  }
0xd6: {  	_ =	task.clear_ibuf [dreg:s22], $0x2FFFF;
	_ =	strace $0x9FFFFFFF  }
0xd7: {  	(tm) =	ssettm $0x7FFFFFFF  }
tec
execute0_lowered:
.L_overlay_start_1:
0x0: {  	(tag) =	ssettag $0x1  }
0x1: {  	s5 =	rddreg [dreg:$0x0]  }
0x2: {  	s7 =	rddreg [dreg:$0x1]  }
0x3: {  	s1 =	rddreg [dreg:$0x2]  }
0x4: {  	s2 =	srdreg.scid;
	s0 =	stileid.u32  }
0x5: {  	s3 =	rddreg [dreg:$0x3];
	s28 =	sand.u32 $0x1, s2;
	s31 =	sshll.u32 s0, $0x1  }
0x6: {  	s13 =	rddreg [dreg:$0x4];
	s11 =	sor.u32 s28, s31  }
0x7: {  	s4 =	simm.s32 $0x0;
	s2 =	rddreg [dreg:$0x5];
	s6 =	sshll.u32 s11, $0x5  }
0x8: {  	[smem:$0x7FF] =	sst s4;
	s8 =	sor.u32 $0x400, s6  }
0x9: {  	_ =	strace $0x8000004A;
	s6 =	simm.s32 $0x9;
	s5 =	sadd.s32 s5, s8  }
0xa: {  	[tilespmem:s4], [sflag:$0x9] =	stream.linear.gather [hbm4b:s5+s4], $0x100, $0x38;
	[tilespmem:$0x10200] =	vst v63  }
0xb: {  	_ =	swait.ge [sflag:s6], $0x100  }
0xc: {  	[sflag:s6] =	ssyncset.done $0x0  }
0xd: {  	s7 =	sadd.s32 s7, s8;
	s8 =	simm.s32 $0x100;
	[sflag:s6] =	ssyncadd.s32 $0xFFFFFF00  }
0xe: {  	[tilespmem:s8], [sflag:$0x9] =	stream.linear.gather [hbm4b:s7+s4], $0x100, $0x38;
	[tilespmem:$0x10200] =	vst v63  }
0xf: {  	_ =	swait.ge [sflag:s6], $0x100  }
0x10: {  	[sflag:s6] =	ssyncset.done $0x0  }
0x11: {  	s9 =	simm.s32 $0x80;
	s10 =	simm.s32 $0x200;
	[sflag:s6] =	ssyncadd.s32 $0xFFFFFF00  }
0x12: {  	[tilespmem:s10], [sflag:$0x1] =	stream.indirect.gather [hbm4b:s1+s9], $0x80, s4, s9, $0xb8;
	[tilespmem:$0x10200] =	vst v63  }
0x13: {  	s12 =	simm.s32 $0x1;
	s14 =	sshll.u32 s11, $0xD;
	s11 =	simm.s32 $0x4200  }
0x14: {  	[tilespmem:s11], [sflag:$0x2] =	stream.indirect.gather [hbm4b:s1+s9], $0x80, s9, s9, $0xb8;
	[tilespmem:$0x10200] =	vst v63  }
0x15: {  	_ =	swait.ge [sflag:s12], $0x4000  }
0x16: {  	s15 =	simm.s32 $0x800;
	s24 =	sadd.s32 s14, s13;
	[sflag:s12] =	ssyncset.done $0x0  }
0x17: {  	s14 =	simm.s32 $0x400;
	s13 =	sadd.s32 $0x1800, s24;
	[sflag:s12] =	ssyncadd.s32 $0xFFFFC000  }
0x18: {  	[hbm4b:s13+s14] =	stream.strided.scatter [tilespmem:s10], [sflag:$0x5], $0x4000, s15, s14, $0x38;
	[tilespmem:$0x10200] =	vst v63  }
0x19: {  	s16 =	simm.s32 $0x8200;
	s17 =	simm.s32 $0x2  }
0x1a: {  	[tilespmem:s16], [sflag:$0x3] =	stream.indirect.gather [hbm4b:s3+s9], $0x80, s8, s9, $0xb8;
	[tilespmem:$0x10200] =	vst v63  }
0x1b: {  	_ =	swait.ge [sflag:s17], $0x4000  }
0x1c: {  	[sflag:s17] =	ssyncset.done $0x0  }
0x1d: {  	s18 =	sadd.s32 $0x2800, s24;
	[sflag:s17] =	ssyncadd.s32 $0xFFFFC000  }
0x1e: {  	[hbm4b:s18+s14] =	stream.strided.scatter [tilespmem:s11], [sflag:$0x6], $0x4000, s15, s14, $0x38;
	[tilespmem:$0x10200] =	vst v63  }
0x1f: {  	s19 =	simm.s32 $0x180;
	s20 =	simm.s32 $0xC200;
	s21 =	simm.s32 $0x3  }
0x20: {  	[tilespmem:s20], [sflag:$0x4] =	stream.indirect.gather [hbm4b:s3+s9], $0x80, s19, s9, $0xb8;
	[tilespmem:$0x10200] =	vst v63  }
0x21: {  	_ =	swait.ge [sflag:s21], $0x4000  }
0x22: {  	[sflag:s21] =	ssyncset.done $0x0  }
0x23: {  	s23 =	simm.s32 $0x4;
	s22 =	sadd.s32 $0x1880, s24;
	[sflag:s21] =	ssyncadd.s32 $0xFFFFC000  }
0x24: {  	[hbm4b:s22+s14] =	stream.strided.scatter [tilespmem:s16], [sflag:$0x7], $0x4000, s15, s14, $0x38;
	[tilespmem:$0x10200] =	vst v63  }
0x25: {  	_ =	swait.ge [sflag:s23], $0x4000  }
0x26: {  	[sflag:s23] =	ssyncset.done $0x0  }
0x27: {  	s25 =	simm.s32 $0x5;
	s24 =	sadd.s32 $0x2880, s24;
	[sflag:s23] =	ssyncadd.s32 $0xFFFFC000  }
0x28: {  	[hbm4b:s24+s14] =	stream.strided.scatter [tilespmem:s20], [sflag:$0x8], $0x4000, s15, s14, $0x38;
	[tilespmem:$0x10200] =	vst v63  }
0x29: {  	_ =	swait.ge [sflag:s25], $0x4000  }
0x2a: {  	s29 =	ssub.s32 $0x2, s28;
	[sflag:s25] =	ssyncset.done $0x0  }
0x2b: {  	s26 =	simm.s32 $0x6;
	s30 =	sshrl.u32 s29, $0x1;
	[sflag:s25] =	ssyncadd.s32 $0xFFFFC000  }
0x2c: {  	s29 =	ssub.s32 s29, s30;
	_ =	swait.ge [sflag:s26], $0x4000  }
0x2d: {  	s30 =	smax.u32 s29, $0x1;
	[sflag:s26] =	ssyncset.done $0x0  }
0x2e: {  	s28 =	simm.s32 $0x7;
	p0 =	sne.s32 s30, $0x1;
	[sflag:s26] =	ssyncadd.s32 $0xFFFFC000  }
.Ltmp0:
0x2f: {  	_ =	swait.ge [sflag:s28], $0x4000;
	(pc) =	sbr.rel @!p0 .LBB2_2-.Ltmp0, $4  }
0x30: {  	[sflag:s28] =	ssyncset.done $0x0  }
0x31: {  	s29 =	simm.s32 $0x8;
	[sflag:s28] =	ssyncadd.s32 $0xFFFFC000  }
0x32: {  	_ =	swait.ge [sflag:s29], $0x4000  }
0x33: {  	s30 =	sadd.s32 $0xFFFFFFFF, s30;
	[sflag:s29] =	ssyncset.done $0x0  }
.LBB2_1:
0x34: {  	p0 =	sne.s32 s30, $0x1;
	s30 =	sadd.s32 $0xFFFFFFFF, s30;
	[sflag:s29] =	ssyncadd.s32 $0xFFFFC000  }
0x35: {  	[tilespmem:s4], [sflag:$0x9] =	stream.linear.gather [hbm4b:s5+s4], $0x100, $0x38;
	[tilespmem:$0x10200] =	vst v63  }
0x36: {  	_ =	swait.ge [sflag:s6], $0x100  }
0x37: {  	[sflag:s6] =	ssyncset.done $0x0  }
0x38: {  	[sflag:s6] =	ssyncadd.s32 $0xFFFFFF00  }
0x39: {  	[tilespmem:s8], [sflag:$0x9] =	stream.linear.gather [hbm4b:s7+s4], $0x100, $0x38;
	[tilespmem:$0x10200] =	vst v63  }
0x3a: {  	_ =	swait.ge [sflag:s6], $0x100  }
0x3b: {  	[sflag:s6] =	ssyncset.done $0x0  }
0x3c: {  	[sflag:s6] =	ssyncadd.s32 $0xFFFFFF00  }
0x3d: {  	[tilespmem:s10], [sflag:$0x1] =	stream.indirect.gather [hbm4b:s1+s9], $0x80, s4, s9, $0xb8;
	[tilespmem:$0x10200] =	vst v63  }
0x3e: {  	_ = 	snop  }
0x3f: {  	[tilespmem:s11], [sflag:$0x2] =	stream.indirect.gather [hbm4b:s1+s9], $0x80, s9, s9, $0xb8;
	[tilespmem:$0x10200] =	vst v63  }
0x40: {  	_ =	swait.ge [sflag:s12], $0x4000  }
0x41: {  	[sflag:s12] =	ssyncset.done $0x0  }
0x42: {  	[sflag:s12] =	ssyncadd.s32 $0xFFFFC000  }
0x43: {  	[hbm4b:s13+s14] =	stream.strided.scatter [tilespmem:s10], [sflag:$0x5], $0x4000, s15, s14, $0x38;
	[tilespmem:$0x10200] =	vst v63  }
0x44: {  	_ = 	snop  }
0x45: {  	[tilespmem:s16], [sflag:$0x3] =	stream.indirect.gather [hbm4b:s3+s9], $0x80, s8, s9, $0xb8;
	[tilespmem:$0x10200] =	vst v63  }
0x46: {  	_ =	swait.ge [sflag:s17], $0x4000  }
0x47: {  	[sflag:s17] =	ssyncset.done $0x0  }
0x48: {  	[sflag:s17] =	ssyncadd.s32 $0xFFFFC000  }
0x49: {  	[hbm4b:s18+s14] =	stream.strided.scatter [tilespmem:s11], [sflag:$0x6], $0x4000, s15, s14, $0x38;
	[tilespmem:$0x10200] =	vst v63  }
0x4a: {  	_ = 	snop  }
0x4b: {  	[tilespmem:s20], [sflag:$0x4] =	stream.indirect.gather [hbm4b:s3+s9], $0x80, s19, s9, $0xb8;
	[tilespmem:$0x10200] =	vst v63  }
0x4c: {  	_ =	swait.ge [sflag:s21], $0x4000  }
0x4d: {  	[sflag:s21] =	ssyncset.done $0x0  }
0x4e: {  	[sflag:s21] =	ssyncadd.s32 $0xFFFFC000  }
0x4f: {  	[hbm4b:s22+s14] =	stream.strided.scatter [tilespmem:s16], [sflag:$0x7], $0x4000, s15, s14, $0x38;
	[tilespmem:$0x10200] =	vst v63  }
0x50: {  	_ =	swait.ge [sflag:s23], $0x4000  }
0x51: {  	[sflag:s23] =	ssyncset.done $0x0  }
0x52: {  	[sflag:s23] =	ssyncadd.s32 $0xFFFFC000  }
0x53: {  	[hbm4b:s24+s14] =	stream.strided.scatter [tilespmem:s20], [sflag:$0x8], $0x4000, s15, s14, $0x38;
	[tilespmem:$0x10200] =	vst v63  }
0x54: {  	_ =	swait.ge [sflag:s25], $0x4000  }
0x55: {  	[sflag:s25] =	ssyncset.done $0x0  }
0x56: {  	[sflag:s25] =	ssyncadd.s32 $0xFFFFC000  }
0x57: {  	_ =	swait.ge [sflag:s26], $0x4000  }
0x58: {  	[sflag:s26] =	ssyncset.done $0x0  }
0x59: {  	[sflag:s26] =	ssyncadd.s32 $0xFFFFC000  }
.Ltmp1:
0x5a: {  	_ =	swait.ge [sflag:s28], $0x4000;
	(pc) =	sbr.rel @p0 .LBB2_1-.Ltmp1, $4  }
0x5b: {  	[sflag:s28] =	ssyncset.done $0x0  }
0x5c: {  	[sflag:s28] =	ssyncadd.s32 $0xFFFFC000  }
0x5d: {  	_ =	swait.ge [sflag:s29], $0x4000  }
0x5e: {  	[sflag:s29] =	ssyncset.done $0x0  }
.LBB2_2:
0x5f: {  	[sflag:s29] =	ssyncadd.s32 $0xFFFFC000  }
0x60: {  	_ =	sfence.sel $0x180000  }
0x61: {  	[bflag:$0x0] =	sbarrier.arrive $0xFFFF  }
0x62: {  	p0 =	sne.s32 s0, $0x0;
	_ =	strace $0x9000004A  }
0x63: {  	s0 =	sadd.s32 @!p0 $0x100000, s2;
	[bflag:$0x2] =	sbarrier.arrive $0xFFFF  }
0x64: {  	[sflag:s0] =	ssyncadd.tile.s32 @!p0 $0x1;
	_ =	shalt  }
.Lfunc_end2:
_tile_overlayer_lowered:
.L_overlay_start_2:
0x65: {  	(tag) =	ssettag $0x2  }
0x66: {  	s0 =	rddreg [dreg:$0x0];
	s2 =	stileid.u32  }
0x67: {  	s1 =	rddreg [dreg:$0x1];
	p0 =	sne.s32 s2, $0x0  }
0x68: {  	s3 =	rddreg [dreg:$0x2];
	[bflag:$0x3] =	sbarrier.arrive $0xFFFF;
	s2 =	simm.s32 @!p0 $0x1C09  }
0x69: {  	[timem:s3], [sflag:s2] =	dma.local @!p0 [hbm:s0], s1  }
0x6a: {  	s0 =	simm.s32 @!p0 $0x9  }
0x6b: {  	_ =	swait.ge @!p0 [sflag:s0], s1  }
0x6c: {  	s1 =	ssub.s32 @!p0 $0x0, s1;
	[sflag:s0] =	ssyncset.done @!p0 $0x0  }
0x6d: {  	[sflag:s0] =	ssyncadd.s32 @!p0 s1  }
0x6e: {  	[bflag:$0x3] =	sbarrier.arrive $0xFFFF  }
0x6f: {  	_ =	shalt  }

</sc_bundles>
